<compile_context>
chip_gen: v7x
topology: tpu7x:2x2x1
jax: 0.10.2.dev20260603
libtpu: 0.0.44.dev20260713+nightly
codegen_flags: <defaults>
</compile_context>

<pallas_src>
import functools

import jax
import jax.numpy as jnp
import numpy as np
from jax import lax
from jax.experimental import pallas as pl
from jax.experimental.pallas import tpu as pltpu
from jax.experimental.pallas import tpu_sc as plsc

B = 128
H = 128
V = 100000
TV = 2048
NV = -(-V // TV)
NEG = np.float32(-1e9)
TINY = np.float32(2.0 ** -126)

_KEY1 = (2877103387, 1697627890)
_KEY2 = (2352926074, 781486348)


def _threefry_gumbel(flat, k1, k2):
    ks0 = jnp.uint32(k1)
    ks1 = jnp.uint32(k2)
    ks2 = jnp.uint32(0x1BD11BDA ^ k1 ^ k2)
    x0 = jnp.zeros_like(flat) + ks0
    x1 = flat + ks1
    rots = ((13, 15, 26, 6), (17, 29, 16, 24))
    kseq = ((ks1, ks2), (ks2, ks0), (ks0, ks1), (ks1, ks2), (ks2, ks0))
    for i in range(5):
        for r in rots[i % 2]:
            x0 = x0 + x1
            x1 = (x1 << r) | (x1 >> (32 - r))
            x1 = x1 ^ x0
        ka, kb = kseq[i]
        x0 = x0 + ka
        x1 = x1 + kb + jnp.uint32(i + 1)
    bits = x0 ^ x1
    fb = (bits >> 9) | jnp.uint32(0x3F800000)
    fl = lax.bitcast_convert_type(fb, jnp.float32) - jnp.float32(1.0)
    u = jnp.maximum(TINY, fl + TINY)
    return -jnp.log(-jnp.log(u))


def _head_body(k1, k2, nin, *refs):
    h_ref, w_ref, b_ref, g_ref = refs[0:4]
    out_ref, tok_ref = refs[nin], refs[nin + 1]
    bestv, besti = refs[nin + 2], refs[nin + 3]
    j = pl.program_id(0)
    h = h_ref[...]
    w = w_ref[...]
    logits = lax.dot_general(h, w, (((1,), (1,)), ((), ())),
                             preferred_element_type=jnp.float32)
    logits = logits + b_ref[...]
    out_ref[0] = logits

    row = lax.broadcasted_iota(jnp.uint32, (B, TV), 0)
    col = lax.broadcasted_iota(jnp.int32, (B, TV), 1) + j * TV
    flat = row * jnp.uint32(V) + col.astype(jnp.uint32)
    g = _threefry_gumbel(flat, k1, k2)

    admissible = jnp.logical_and(g_ref[...], col < V)
    val = jnp.where(admissible, logits + g, NEG)
    m = jnp.max(val, axis=1)[:, None]
    a = (jnp.argmax(val, axis=1).astype(jnp.int32) + j * TV)[:, None]

    @pl.when(j == 0)
    def _():
        bestv[...] = m
        besti[...] = a

    @pl.when(j > 0)
    def _():
        better = m > bestv[...]
        bestv[...] = jnp.where(better, m, bestv[...])
        besti[...] = jnp.where(better, a, besti[...])

    tok_ref[...] = besti[...]


def _head(h, w_out, b_out2, graphs, keypair, step, buf=None):
    ins = [h, w_out, b_out2, graphs]
    in_specs = [
        pl.BlockSpec((B, H), lambda j: (0, 0)),
        pl.BlockSpec((TV, H), lambda j: (j, 0)),
        pl.BlockSpec((1, TV), lambda j: (0, j)),
        pl.BlockSpec((B, TV), lambda j: (0, j)),
    ]
    aliases = {}
    if buf is not None:
        ins.append(buf)
        in_specs.append(pl.BlockSpec(memory_space=pltpu.MemorySpace.HBM))
        aliases = {4: 0}
    body = functools.partial(_head_body, keypair[0], keypair[1], len(ins))
    return pl.pallas_call(
        body,
        grid=(NV,),
        in_specs=in_specs,
        out_specs=[
            pl.BlockSpec((1, B, TV), lambda j, s=step: (s, 0, j)),
            pl.BlockSpec((B, 1), lambda j: (0, 0)),
        ],
        out_shape=[
            jax.ShapeDtypeStruct((2, B, V), jnp.float32),
            jax.ShapeDtypeStruct((B, 1), jnp.int32),
        ],
        scratch_shapes=[
            pltpu.VMEM((B, 1), jnp.float32),
            pltpu.VMEM((B, 1), jnp.int32),
        ],
        input_output_aliases=aliases,
        compiler_params=pltpu.CompilerParams(
            dimension_semantics=("arbitrary",)),
    )(*ins)


def _gru_body(emb_ref, h_ref, wih_ref, whh_ref, bih_ref, bhh_ref, out_ref):
    x = jnp.maximum(emb_ref[...], jnp.float32(0.0))
    h = h_ref[...]
    gi = lax.dot_general(x, wih_ref[...], (((1,), (1,)), ((), ())),
                         preferred_element_type=jnp.float32) + bih_ref[...]
    gh = lax.dot_general(h, whh_ref[...], (((1,), (1,)), ((), ())),
                         preferred_element_type=jnp.float32) + bhh_ref[...]
    r = jax.nn.sigmoid(gi[:, 0:H] + gh[:, 0:H])
    z = jax.nn.sigmoid(gi[:, H:2 * H] + gh[:, H:2 * H])
    n = jnp.tanh(gi[:, 2 * H:3 * H] + r * gh[:, 2 * H:3 * H])
    out_ref[...] = (jnp.float32(1.0) - z) * n + z * h


def _gru(emb, h, w_ih, w_hh, bih2, bhh2):
    return pl.pallas_call(
        _gru_body,
        out_shape=jax.ShapeDtypeStruct((B, H), jnp.float32),
    )(emb, h, w_ih, w_hh, bih2, bhh2)


def _sc_gather(table, idx):
    mesh = plsc.VectorSubcoreMesh(core_axis_name="c", subcore_axis_name="s")
    bpw = 8
    nw_used = B // bpw

    @functools.partial(
        pl.kernel, mesh=mesh,
        out_type=jax.ShapeDtypeStruct((B, H), jnp.float32),
        scratch_types=[
            pltpu.VMEM((bpw,), jnp.int32),
            pltpu.VMEM((bpw, H), jnp.float32),
            pltpu.SemaphoreType.DMA,
        ],
    )
    def gk(table_hbm, idx_hbm, out_hbm, idx_v, rows_v, sem):
        wid = lax.axis_index("s") * 2 + lax.axis_index("c")

        @pl.when(wid < nw_used)
        def _():
            base = wid * bpw
            pltpu.sync_copy(idx_hbm.at[pl.ds(base, bpw)], idx_v)
            pltpu.async_copy(table_hbm.at[idx_v], rows_v, sem).wait()
            pltpu.sync_copy(rows_v, out_hbm.at[pl.ds(base, bpw)])

    return gk(table, idx)


def kernel(input, input_hidden, graphs, embedding, w_ih, w_hh, b_ih, b_hh, w_out, b_out):
    b_out2 = b_out.reshape(1, V)
    bih2 = b_ih.reshape(1, 3 * H)
    bhh2 = b_hh.reshape(1, 3 * H)

    emb1 = jnp.broadcast_to(embedding[2], (B, H))
    h1 = _gru(emb1, input_hidden, w_ih, w_hh, bih2, bhh2)
    buf, tok1 = _head(h1, w_out, b_out2, graphs, _KEY1, 0)

    emb2 = _sc_gather(embedding, tok1.reshape(B))
    h2 = _gru(emb2, h1, w_ih, w_hh, bih2, bhh2)
    all_outputs, tok2 = _head(h2, w_out, b_out2, graphs, _KEY2, 1, buf=buf)
    all_words = jnp.stack([tok1, tok2]).astype(jnp.int64)
    return all_outputs, all_words

# --- scband reference (transcript-rebuilt; emitter-appended) ---
"""Pipeline reference for scband-object-decoder-11416023073410 (READ-ONLY COPY).

The authoritative reference and input builder live on the scoring server;
editing this copy changes nothing except your own understanding.
"""

import jax, jax.numpy as jnp
import numpy as np

B = 128
INPUT_SIZE = 128
HIDDEN = 128
VOCAB = 100000
MAX_DECODE_STEPS = 2
START_TOKEN = 2


def setup_inputs(seed: int = 0):
    key = jax.random.key(seed)
    ks = jax.random.split(key, 10)
    scale = 1.0 / np.sqrt(HIDDEN)
    graphs = jax.random.randint(ks[2], (B, VOCAB), 0, 2).astype(bool)
    graphs = graphs.at[:, 0].set(True)  # guarantee each row has at least one admissible object
    return {
        "input": jax.random.normal(ks[0], (B, INPUT_SIZE), dtype=jnp.float32),
        "input_hidden": jax.random.normal(ks[1], (B, HIDDEN), dtype=jnp.float32),
        "graphs": graphs,
        "embedding": jax.random.normal(ks[3], (VOCAB, HIDDEN), dtype=jnp.float32) * 0.02,
        "w_ih": jax.random.uniform(ks[4], (3 * HIDDEN, HIDDEN), minval=-scale, maxval=scale, dtype=jnp.float32),
        "w_hh": jax.random.uniform(ks[5], (3 * HIDDEN, HIDDEN), minval=-scale, maxval=scale, dtype=jnp.float32),
        "b_ih": jax.random.uniform(ks[6], (3 * HIDDEN,), minval=-scale, maxval=scale, dtype=jnp.float32),
        "b_hh": jax.random.uniform(ks[7], (3 * HIDDEN,), minval=-scale, maxval=scale, dtype=jnp.float32),
        "w_out": jax.random.uniform(ks[8], (VOCAB, HIDDEN), minval=-scale, maxval=scale, dtype=jnp.float32),
        "b_out": jax.random.uniform(ks[9], (VOCAB,), minval=-scale, maxval=scale, dtype=jnp.float32),
    }


def _gru_cell(x, h, w_ih, w_hh, b_ih, b_hh):
    gi = x @ w_ih.T + b_ih
    gh = h @ w_hh.T + b_hh
    i_r, i_z, i_n = jnp.split(gi, 3, axis=-1)
    h_r, h_z, h_n = jnp.split(gh, 3, axis=-1)
    r = jax.nn.sigmoid(i_r + h_r)
    z = jax.nn.sigmoid(i_z + h_z)
    n = jnp.tanh(i_n + r * h_n)
    return (1.0 - z) * n + z * h


def reference(input, input_hidden, graphs, embedding, w_ih, w_hh, b_ih, b_hh, w_out, b_out):
    # ObjectDecoder.forward, k == 1 branch, eval mode (graph_dropout inactive).
    # decoder_input starts as <s>; 2 decode steps of DecoderRNN2 (embed -> relu -> GRU -> out),
    # then a masked multinomial sample over graph-admissible objects.
    key = jax.random.key(1234)
    h = input_hidden  # input_hidden.unsqueeze(0) -> single-layer GRU hidden
    dec_in = jnp.full((B,), START_TOKEN, dtype=jnp.int32)
    all_outputs = []
    all_words = []
    for di in range(MAX_DECODE_STEPS):
        emb = jnp.take(embedding, dec_in, axis=0)  # embedding lookup (SparseCore gather)
        x = jax.nn.relu(emb)
        h = _gru_cell(x, h, w_ih, w_hh, b_ih, b_hh)
        ret_decoder_output = h @ w_out.T + b_out  # logits over object vocab
        all_outputs.append(ret_decoder_output)
        # F.softmax(ret_decoder_output[i][graphs[i]]).multinomial(1), mapped back through
        # graphs[i].nonzero() == categorical sampling over logits masked to -inf off-graph
        masked = jnp.where(graphs, ret_decoder_output, -1e9)
        key, sk = jax.random.split(key)
        topi = jax.random.categorical(sk, masked, axis=-1)
        dec_in = topi.astype(jnp.int32)
        all_words.append(topi.astype(jnp.int64)[:, None])
    return jnp.stack(all_outputs), jnp.stack(all_words)

if __name__ == "__main__":
    import jax
    _d = setup_inputs()
    print(jax.jit(kernel)(*tuple(_d.values())))

</pallas_src>

<mosaic_0001>
#map = affine_map<(d0, d1) -> (0, 0)>
#map1 = affine_map<(d0, d1) -> (0)>
module attributes {stable_mosaic.version = 14 : i64} {
  func.func @gk(%arg0: i32, %arg1: i32, %arg2: memref<100000x128xf32, #tpu.memory_space<hbm>>, %arg3: memref<128xi32, #tpu.memory_space<hbm>>, %arg4: memref<128x128xf32, #tpu.memory_space<hbm>>, %arg5: memref<8xi32, #tpu.memory_space<vmem>>, %arg6: memref<8x128xf32, #tpu.memory_space<vmem>>, %arg7: memref<!tpu.dma_semaphore, #tpu.memory_space<semaphore_mem>>) attributes {dimension_semantics = [#tpu.dimension_semantics<core_parallel>, #tpu.dimension_semantics<subcore_parallel>], iteration_bounds = array<i64: 2, 16>, scalar_prefetch = 0 : i64, scratch_operands = 3 : i64, tpu.core_type = #tpu.core_type<sc_vector_subcore>, window_params = [{transform_indices = #map}, {transform_indices = #map1}, {transform_indices = #map}]} {
    %mul3A = arith.constant 2 : i32
    %mul3A_0 = arith.muli %arg1, %mul3A : i32
    %add3A = arith.addi %mul3A_0, %arg0 : i32
    %lt3A = arith.constant 16 : i32
    %lt3A_1 = arith.cmpi slt, %add3A, %lt3A : i32
    %convert_element_type3A = arith.extui %lt3A_1 : i1 to i32
    %cond3A = arith.constant 0 : i32
    %cond3A_2 = arith.cmpi ne, %convert_element_type3A, %cond3A : i32
    scf.if %cond3A_2 {
      %mul3A_3 = arith.constant 8 : i32
      %mul3A_4 = arith.muli %add3A, %mul3A_3 : i32
      "tpu.region"() ({
        %run_scoped3A = tpu.sem_alloc : memref<!tpu.dma_semaphore, #tpu.memory_space<semaphore_mem>>
        %dma_start3A_9 = tpu.memref_slice %arg3[%mul3A_4] : memref<128xi32, #tpu.memory_space<hbm>> -> memref<8xi32, #tpu.memory_space<hbm>>
        %dma_start3A_10 = tpu.memref_slice %arg3[%mul3A_4] : memref<128xi32, #tpu.memory_space<hbm>> -> memref<8xi32, #tpu.memory_space<hbm>>
        tpu.enqueue_dma source(%dma_start3A_10 : memref<8xi32, #tpu.memory_space<hbm>>) target(%arg5 : memref<8xi32, #tpu.memory_space<vmem>>) target_semaphore(%run_scoped3A : memref<!tpu.dma_semaphore, #tpu.memory_space<semaphore_mem>>)
        %dma_wait3A_11 = tpu.memref_slice %arg3[%mul3A_4] : memref<128xi32, #tpu.memory_space<hbm>> -> memref<8xi32, #tpu.memory_space<hbm>>
        %dma_wait3A_12 = tpu.memref_slice %arg3[%mul3A_4] : memref<128xi32, #tpu.memory_space<hbm>> -> memref<8xi32, #tpu.memory_space<hbm>>
        tpu.wait_dma2 semaphore(%run_scoped3A : memref<!tpu.dma_semaphore, #tpu.memory_space<semaphore_mem>>) src(%dma_wait3A_12 : memref<8xi32, #tpu.memory_space<hbm>>) dst(%arg5 : memref<8xi32, #tpu.memory_space<vmem>>)
        tpu.yield
      }) : () -> ()
      %dma_start3A = arith.constant 0 : i32
      %dma_start3A_5 = arith.constant 0 : i32
      %dma_start3A_6 = tpu.memref_slice %arg2[%dma_start3A, %dma_start3A_5] : memref<100000x128xf32, #tpu.memory_space<hbm>> -> memref<100000x128xf32, #tpu.memory_space<hbm>>
      tpu.enqueue_indirect_dma source(%dma_start3A_6 : memref<100000x128xf32, #tpu.memory_space<hbm>>) target(%arg6 : memref<8x128xf32, #tpu.memory_space<vmem>>) offsets(%arg5 : memref<8xi32, #tpu.memory_space<vmem>>) semaphore(%arg7 : memref<!tpu.dma_semaphore, #tpu.memory_space<semaphore_mem>>)
      %dma_wait3A = arith.constant 0 : i32
      %dma_wait3A_7 = arith.constant 0 : i32
      %dma_wait3A_8 = tpu.memref_slice %arg2[%dma_wait3A, %dma_wait3A_7] : memref<100000x128xf32, #tpu.memory_space<hbm>> -> memref<100000x128xf32, #tpu.memory_space<hbm>>
      tpu.wait_indirect_dma semaphore(%arg7 : memref<!tpu.dma_semaphore, #tpu.memory_space<semaphore_mem>>) src(%dma_wait3A_8 : memref<100000x128xf32, #tpu.memory_space<hbm>>) dst(%arg6 : memref<8x128xf32, #tpu.memory_space<vmem>>)
      "tpu.region"() ({
        %run_scoped3A = tpu.sem_alloc : memref<!tpu.dma_semaphore, #tpu.memory_space<semaphore_mem>>
        %dma_start3A_9 = arith.constant 0 : i32
        %dma_start3A_10 = tpu.memref_slice %arg4[%mul3A_4, %dma_start3A_9] : memref<128x128xf32, #tpu.memory_space<hbm>> -> memref<8x128xf32, #tpu.memory_space<hbm>>
        %dma_start3A_11 = arith.constant 0 : i32
        %dma_start3A_12 = tpu.memref_slice %arg4[%mul3A_4, %dma_start3A_11] : memref<128x128xf32, #tpu.memory_space<hbm>> -> memref<8x128xf32, #tpu.memory_space<hbm>>
        tpu.enqueue_dma source(%arg6 : memref<8x128xf32, #tpu.memory_space<vmem>>) target(%dma_start3A_12 : memref<8x128xf32, #tpu.memory_space<hbm>>) target_semaphore(%run_scoped3A : memref<!tpu.dma_semaphore, #tpu.memory_space<semaphore_mem>>)
        %dma_wait3A_13 = arith.constant 0 : i32
        %dma_wait3A_14 = tpu.memref_slice %arg4[%mul3A_4, %dma_wait3A_13] : memref<128x128xf32, #tpu.memory_space<hbm>> -> memref<8x128xf32, #tpu.memory_space<hbm>>
        %dma_wait3A_15 = arith.constant 0 : i32
        %dma_wait3A_16 = tpu.memref_slice %arg4[%mul3A_4, %dma_wait3A_15] : memref<128x128xf32, #tpu.memory_space<hbm>> -> memref<8x128xf32, #tpu.memory_space<hbm>>
        tpu.wait_dma2 semaphore(%run_scoped3A : memref<!tpu.dma_semaphore, #tpu.memory_space<semaphore_mem>>) src(%arg6 : memref<8x128xf32, #tpu.memory_space<vmem>>) dst(%dma_wait3A_16 : memref<8x128xf32, #tpu.memory_space<hbm>>)
        tpu.yield
      }) : () -> ()
    } else {
    }
    return
  }
}

module attributes {stable_mosaic.version = 14 : i64} {
  func.func @_gru_body(%arg0: memref<128x128xf32, #tpu.memory_space<vmem>>, %arg1: memref<128x128xf32, #tpu.memory_space<vmem>>, %arg2: memref<384x128xf32, #tpu.memory_space<vmem>>, %arg3: memref<384x128xf32, #tpu.memory_space<vmem>>, %arg4: memref<1x384xf32, #tpu.memory_space<vmem>>, %arg5: memref<1x384xf32, #tpu.memory_space<vmem>>, %arg6: memref<128x128xf32, #tpu.memory_space<vmem>>) attributes {dimension_semantics = [], scalar_prefetch = 0 : i64, scratch_operands = 0 : i64, tpu.core_type = #tpu.core_type<tc>} {
    %get3A = arith.constant 0 : index
    %get3A_0 = arith.constant 0 : index
    %get3A_1 = vector.load %arg0[%get3A, %get3A_0] : memref<128x128xf32, #tpu.memory_space<vmem>>, vector<128x128xf32>
    %max3A = arith.constant 0.000000e+00 : f32
    %max3A_2 = vector.broadcast %max3A : f32 to vector<128x128xf32>
    %max3A_3 = arith.maximumf %get3A_1, %max3A_2 : vector<128x128xf32>
    %get3A_4 = arith.constant 0 : index
    %get3A_5 = arith.constant 0 : index
    %get3A_6 = vector.load %arg1[%get3A_4, %get3A_5] : memref<128x128xf32, #tpu.memory_space<vmem>>, vector<128x128xf32>
    %get3A_7 = arith.constant 0 : index
    %get3A_8 = arith.constant 0 : index
    %get3A_9 = vector.load %arg2[%get3A_7, %get3A_8] : memref<384x128xf32, #tpu.memory_space<vmem>>, vector<384x128xf32>
    %dot_general3A = arith.constant dense<0.000000e+00> : vector<128x384xf32>
    %dot_general3A_10 = tpu.matmul %max3A_3, %get3A_9, %dot_general3A {dimension_numbers = #tpu.dot_dimension_numbers<[1], [1], [0], [0], [0, 0, 1, 0], [], []>, transpose_lhs_hint = false} : vector<128x128xf32>, vector<384x128xf32>, vector<128x384xf32> -> vector<128x384xf32>
    %get3A_11 = arith.constant 0 : index
    %get3A_12 = arith.constant 0 : index
    %get3A_13 = vector.load %arg4[%get3A_11, %get3A_12] : memref<1x384xf32, #tpu.memory_space<vmem>>, vector<1x384xf32>
    %add3A = vector.broadcast %get3A_13 : vector<1x384xf32> to vector<128x384xf32>
    %add3A_14 = arith.addf %dot_general3A_10, %add3A : vector<128x384xf32>
    %get3A_15 = arith.constant 0 : index
    %get3A_16 = arith.constant 0 : index
    %get3A_17 = vector.load %arg3[%get3A_15, %get3A_16] : memref<384x128xf32, #tpu.memory_space<vmem>>, vector<384x128xf32>
    %dot_general3A_18 = arith.constant dense<0.000000e+00> : vector<128x384xf32>
    %dot_general3A_19 = tpu.matmul %get3A_6, %get3A_17, %dot_general3A_18 {dimension_numbers = #tpu.dot_dimension_numbers<[1], [1], [0], [0], [0, 0, 1, 0], [], []>, transpose_lhs_hint = false} : vector<128x128xf32>, vector<384x128xf32>, vector<128x384xf32> -> vector<128x384xf32>
    %get3A_20 = arith.constant 0 : index
    %get3A_21 = arith.constant 0 : index
    %get3A_22 = vector.load %arg5[%get3A_20, %get3A_21] : memref<1x384xf32, #tpu.memory_space<vmem>>, vector<1x384xf32>
    %add3A_23 = vector.broadcast %get3A_22 : vector<1x384xf32> to vector<128x384xf32>
    %add3A_24 = arith.addf %dot_general3A_19, %add3A_23 : vector<128x384xf32>
    %slice3A = vector.extract_strided_slice %add3A_14 {offsets = [0, 0], sizes = [128, 128], strides = [1, 1]} : vector<128x384xf32> to vector<128x128xf32>
    %slice3A_25 = vector.extract_strided_slice %add3A_24 {offsets = [0, 0], sizes = [128, 128], strides = [1, 1]} : vector<128x384xf32> to vector<128x128xf32>
    %add3A_26 = arith.addf %slice3A, %slice3A_25 : vector<128x128xf32>
    %logistic3A = arith.negf %add3A_26 : vector<128x128xf32>
    %logistic3A_27 = math.exp %logistic3A : vector<128x128xf32>
    %logistic3A_28 = arith.constant 1.000000e+00 : f32
    %logistic3A_29 = vector.broadcast %logistic3A_28 : f32 to vector<128x128xf32>
    %logistic3A_30 = arith.addf %logistic3A_29, %logistic3A_27 : vector<128x128xf32>
    %logistic3A_31 = arith.divf %logistic3A_29, %logistic3A_30 : vector<128x128xf32>
    %slice3A_32 = vector.extract_strided_slice %add3A_14 {offsets = [0, 128], sizes = [128, 128], strides = [1, 1]} : vector<128x384xf32> to vector<128x128xf32>
    %slice3A_33 = vector.extract_strided_slice %add3A_24 {offsets = [0, 128], sizes = [128, 128], strides = [1, 1]} : vector<128x384xf32> to vector<128x128xf32>
    %add3A_34 = arith.addf %slice3A_32, %slice3A_33 : vector<128x128xf32>
    %logistic3A_35 = arith.negf %add3A_34 : vector<128x128xf32>
    %logistic3A_36 = math.exp %logistic3A_35 : vector<128x128xf32>
    %logistic3A_37 = arith.constant 1.000000e+00 : f32
    %logistic3A_38 = vector.broadcast %logistic3A_37 : f32 to vector<128x128xf32>
    %logistic3A_39 = arith.addf %logistic3A_38, %logistic3A_36 : vector<128x128xf32>
    %logistic3A_40 = arith.divf %logistic3A_38, %logistic3A_39 : vector<128x128xf32>
    %slice3A_41 = vector.extract_strided_slice %add3A_14 {offsets = [0, 256], sizes = [128, 128], strides = [1, 1]} : vector<128x384xf32> to vector<128x128xf32>
    %slice3A_42 = vector.extract_strided_slice %add3A_24 {offsets = [0, 256], sizes = [128, 128], strides = [1, 1]} : vector<128x384xf32> to vector<128x128xf32>
    %mul3A = arith.mulf %logistic3A_31, %slice3A_42 : vector<128x128xf32>
    %add3A_43 = arith.addf %slice3A_41, %mul3A : vector<128x128xf32>
    %tanh3A = math.tanh %add3A_43 : vector<128x128xf32>
    %sub3A = arith.constant 1.000000e+00 : f32
    %sub3A_44 = vector.broadcast %sub3A : f32 to vector<128x128xf32>
    %sub3A_45 = arith.subf %sub3A_44, %logistic3A_40 : vector<128x128xf32>
    %mul3A_46 = arith.mulf %sub3A_45, %tanh3A : vector<128x128xf32>
    %mul3A_47 = arith.mulf %logistic3A_40, %get3A_6 : vector<128x128xf32>
    %add3A_48 = arith.addf %mul3A_46, %mul3A_47 : vector<128x128xf32>
    %swap3A = arith.constant 0 : index
    %swap3A_49 = arith.constant 0 : index
    %swap3A_50 = vector.load %arg6[%swap3A, %swap3A_49] : memref<128x128xf32, #tpu.memory_space<vmem>>, vector<128x128xf32>
    tpu.vector_store %arg6[%swap3A, %swap3A_49], %add3A_48 {strides = array<i32>} : memref<128x128xf32, #tpu.memory_space<vmem>>, vector<128x128xf32>,
    return
  }
}

module attributes {stable_mosaic.version = 14 : i64} {
  func.func @_head_body(%arg0: i32, %arg1: memref<128x128xf32, #tpu.memory_space<vmem>>, %arg2: memref<2048x128xf32, #tpu.memory_space<vmem>>, %arg3: memref<1x2048xf32, #tpu.memory_space<vmem>>, %arg4: memref<128x2048xi32, #tpu.memory_space<vmem>>, %arg5: memref<1x128x2048xf32, #tpu.memory_space<vmem>>, %arg6: memref<128x1xi32, #tpu.memory_space<vmem>>, %arg7: memref<128x1xf32, #tpu.memory_space<vmem>>, %arg8: memref<128x1xi32, #tpu.memory_space<vmem>>) attributes {dimension_semantics = [#tpu.dimension_semantics<arbitrary>], iteration_bounds = array<i64: 49>, scalar_prefetch = 0 : i64, scratch_operands = 2 : i64, tpu.core_type = #tpu.core_type<tc>, window_params = [{pipeline_mode = #tpu.pipeline_mode<synchronous>, transform_indices = @transform_0, window_bounds = array<i64: 128, 128>}, {transform_indices = @transform_1, window_bounds = array<i64: 2048, 128>}, {transform_indices = @transform_2, window_bounds = array<i64: 1, 2048>}, {transform_indices = @transform_3, window_bounds = array<i64: 128, 2048>}, {transform_indices = @transform_4, window_bounds = array<i64: 1, 128, 2048>}, {pipeline_mode = #tpu.pipeline_mode<synchronous>, transform_indices = @transform_5, window_bounds = array<i64: 128, 1>}]} {
    %get3A = arith.constant 0 : index
    %get3A_0 = arith.constant 0 : index
    %get3A_1 = vector.load %arg1[%get3A, %get3A_0] : memref<128x128xf32, #tpu.memory_space<vmem>>, vector<128x128xf32>
    %get3A_2 = arith.constant 0 : index
    %get3A_3 = arith.constant 0 : index
    %get3A_4 = vector.load %arg2[%get3A_2, %get3A_3] : memref<2048x128xf32, #tpu.memory_space<vmem>>, vector<2048x128xf32>
    %dot_general3A = arith.constant dense<0.000000e+00> : vector<128x2048xf32>
    %dot_general3A_5 = tpu.matmul %get3A_1, %get3A_4, %dot_general3A {dimension_numbers = #tpu.dot_dimension_numbers<[1], [1], [0], [0], [0, 0, 1, 0], [], []>, transpose_lhs_hint = false} : vector<128x128xf32>, vector<2048x128xf32>, vector<128x2048xf32> -> vector<128x2048xf32>
    %get3A_6 = arith.constant 0 : index
    %get3A_7 = arith.constant 0 : index
    %get3A_8 = vector.load %arg3[%get3A_6, %get3A_7] : memref<1x2048xf32, #tpu.memory_space<vmem>>, vector<1x2048xf32>
    %add3A = vector.broadcast %get3A_8 : vector<1x2048xf32> to vector<128x2048xf32>
    %add3A_9 = arith.addf %dot_general3A_5, %add3A : vector<128x2048xf32>
    %swap3A = arith.constant 0 : index
    %swap3A_10 = arith.constant 0 : index
    %swap3A_11 = arith.constant 0 : index
    %swap3A_12 = vector.load %arg5[%swap3A, %swap3A_10, %swap3A_11] : memref<1x128x2048xf32, #tpu.memory_space<vmem>>, vector<1x128x2048xf32>
    %swap3A_13 = vector.shape_cast %swap3A_12 : vector<1x128x2048xf32> to vector<128x2048xf32>
    %swap3A_14 = vector.shape_cast %add3A_9 : vector<128x2048xf32> to vector<1x128x2048xf32>
    tpu.vector_store %arg5[%swap3A, %swap3A_10, %swap3A_11], %swap3A_14 {strides = array<i32>} : memref<1x128x2048xf32, #tpu.memory_space<vmem>>, vector<1x128x2048xf32>,
    %iota3A = tpu.iota {dimensions = array<i32: 0>} : vector<128x2048xi32>
    %iota3A_15 = tpu.iota {dimensions = array<i32: 1>} : vector<128x2048xi32>
    %mul3A = arith.constant 2048 : i32
    %mul3A_16 = arith.muli %arg0, %mul3A : i32
    %add3A_17 = vector.broadcast %mul3A_16 : i32 to vector<128x2048xi32>
    %add3A_18 = arith.addi %iota3A_15, %add3A_17 : vector<128x2048xi32>
    %mul3A_19 = arith.constant 100000 : i32
    %mul3A_20 = vector.broadcast %mul3A_19 : i32 to vector<128x2048xi32>
    %mul3A_21 = arith.muli %iota3A, %mul3A_20 : vector<128x2048xi32>
    %add3A_22 = arith.addi %mul3A_21, %add3A_18 : vector<128x2048xi32>
    %broadcast_in_dim3A = arith.constant 0 : i32
    %broadcast_in_dim3A_23 = vector.broadcast %broadcast_in_dim3A : i32 to vector<128x2048xi32>
    %add3A_24 = arith.constant -1417863909 : i32
    %add3A_25 = vector.broadcast %add3A_24 : i32 to vector<128x2048xi32>
    %add3A_26 = arith.addi %broadcast_in_dim3A_23, %add3A_25 : vector<128x2048xi32>
    %add3A_27 = arith.constant 1697627890 : i32
    %add3A_28 = vector.broadcast %add3A_27 : i32 to vector<128x2048xi32>
    %add3A_29 = arith.addi %add3A_22, %add3A_28 : vector<128x2048xi32>
    %add3A_30 = arith.addi %add3A_26, %add3A_29 : vector<128x2048xi32>
    %shift_left3A = arith.constant 13 : i32
    %shift_left3A_31 = vector.broadcast %shift_left3A : i32 to vector<128x2048xi32>
    %shift_left3A_32 = arith.shli %add3A_29, %shift_left3A_31 : vector<128x2048xi32>
    %shift_right_logical3A = arith.constant 19 : i32
    %shift_right_logical3A_33 = vector.broadcast %shift_right_logical3A : i32 to vector<128x2048xi32>
    %shift_right_logical3A_34 = arith.shrui %add3A_29, %shift_right_logical3A_33 : vector<128x2048xi32>
    %or3A = arith.ori %shift_left3A_32, %shift_right_logical3A_34 : vector<128x2048xi32>
    %xor3A = arith.xori %or3A, %add3A_30 : vector<128x2048xi32>
    %add3A_35 = arith.addi %add3A_30, %xor3A : vector<128x2048xi32>
    %shift_left3A_36 = arith.constant 15 : i32
    %shift_left3A_37 = vector.broadcast %shift_left3A_36 : i32 to vector<128x2048xi32>
    %shift_left3A_38 = arith.shli %xor3A, %shift_left3A_37 : vector<128x2048xi32>
    %shift_right_logical3A_39 = arith.constant 17 : i32
    %shift_right_logical3A_40 = vector.broadcast %shift_right_logical3A_39 : i32 to vector<128x2048xi32>
    %shift_right_logical3A_41 = arith.shrui %xor3A, %shift_right_logical3A_40 : vector<128x2048xi32>
    %or3A_42 = arith.ori %shift_left3A_38, %shift_right_logical3A_41 : vector<128x2048xi32>
    %xor3A_43 = arith.xori %or3A_42, %add3A_35 : vector<128x2048xi32>
    %add3A_44 = arith.addi %add3A_35, %xor3A_43 : vector<128x2048xi32>
    %shift_left3A_45 = arith.constant 26 : i32
    %shift_left3A_46 = vector.broadcast %shift_left3A_45 : i32 to vector<128x2048xi32>
    %shift_left3A_47 = arith.shli %xor3A_43, %shift_left3A_46 : vector<128x2048xi32>
    %shift_right_logical3A_48 = arith.constant 6 : i32
    %shift_right_logical3A_49 = vector.broadcast %shift_right_logical3A_48 : i32 to vector<128x2048xi32>
    %shift_right_logical3A_50 = arith.shrui %xor3A_43, %shift_right_logical3A_49 : vector<128x2048xi32>
    %or3A_51 = arith.ori %shift_left3A_47, %shift_right_logical3A_50 : vector<128x2048xi32>
    %xor3A_52 = arith.xori %or3A_51, %add3A_44 : vector<128x2048xi32>
    %add3A_53 = arith.addi %add3A_44, %xor3A_52 : vector<128x2048xi32>
    %shift_left3A_54 = arith.constant 6 : i32
    %shift_left3A_55 = vector.broadcast %shift_left3A_54 : i32 to vector<128x2048xi32>
    %shift_left3A_56 = arith.shli %xor3A_52, %shift_left3A_55 : vector<128x2048xi32>
    %shift_right_logical3A_57 = arith.constant 26 : i32
    %shift_right_logical3A_58 = vector.broadcast %shift_right_logical3A_57 : i32 to vector<128x2048xi32>
    %shift_right_logical3A_59 = arith.shrui %xor3A_52, %shift_right_logical3A_58 : vector<128x2048xi32>
    %or3A_60 = arith.ori %shift_left3A_56, %shift_right_logical3A_59 : vector<128x2048xi32>
    %xor3A_61 = arith.xori %or3A_60, %add3A_53 : vector<128x2048xi32>
    %add3A_62 = arith.constant 1697627890 : i32
    %add3A_63 = vector.broadcast %add3A_62 : i32 to vector<128x2048xi32>
    %add3A_64 = arith.addi %add3A_53, %add3A_63 : vector<128x2048xi32>
    %add3A_65 = arith.constant -712787917 : i32
    %add3A_66 = vector.broadcast %add3A_65 : i32 to vector<128x2048xi32>
    %add3A_67 = arith.addi %xor3A_61, %add3A_66 : vector<128x2048xi32>
    %add3A_68 = arith.constant 1 : i32
    %add3A_69 = vector.broadcast %add3A_68 : i32 to vector<128x2048xi32>
    %add3A_70 = arith.addi %add3A_67, %add3A_69 : vector<128x2048xi32>
    %add3A_71 = arith.addi %add3A_64, %add3A_70 : vector<128x2048xi32>
    %shift_left3A_72 = arith.constant 17 : i32
    %shift_left3A_73 = vector.broadcast %shift_left3A_72 : i32 to vector<128x2048xi32>
    %shift_left3A_74 = arith.shli %add3A_70, %shift_left3A_73 : vector<128x2048xi32>
    %shift_right_logical3A_75 = arith.constant 15 : i32
    %shift_right_logical3A_76 = vector.broadcast %shift_right_logical3A_75 : i32 to vector<128x2048xi32>
    %shift_right_logical3A_77 = arith.shrui %add3A_70, %shift_right_logical3A_76 : vector<128x2048xi32>
    %or3A_78 = arith.ori %shift_left3A_74, %shift_right_logical3A_77 : vector<128x2048xi32>
    %xor3A_79 = arith.xori %or3A_78, %add3A_71 : vector<128x2048xi32>
    %add3A_80 = arith.addi %add3A_71, %xor3A_79 : vector<128x2048xi32>
    %shift_left3A_81 = arith.constant 29 : i32
    %shift_left3A_82 = vector.broadcast %shift_left3A_81 : i32 to vector<128x2048xi32>
    %shift_left3A_83 = arith.shli %xor3A_79, %shift_left3A_82 : vector<128x2048xi32>
    %shift_right_logical3A_84 = arith.constant 3 : i32
    %shift_right_logical3A_85 = vector.broadcast %shift_right_logical3A_84 : i32 to vector<128x2048xi32>
    %shift_right_logical3A_86 = arith.shrui %xor3A_79, %shift_right_logical3A_85 : vector<128x2048xi32>
    %or3A_87 = arith.ori %shift_left3A_83, %shift_right_logical3A_86 : vector<128x2048xi32>
    %xor3A_88 = arith.xori %or3A_87, %add3A_80 : vector<128x2048xi32>
    %add3A_89 = arith.addi %add3A_80, %xor3A_88 : vector<128x2048xi32>
    %shift_left3A_90 = arith.constant 16 : i32
    %shift_left3A_91 = vector.broadcast %shift_left3A_90 : i32 to vector<128x2048xi32>
    %shift_left3A_92 = arith.shli %xor3A_88, %shift_left3A_91 : vector<128x2048xi32>
    %shift_right_logical3A_93 = arith.constant 16 : i32
    %shift_right_logical3A_94 = vector.broadcast %shift_right_logical3A_93 : i32 to vector<128x2048xi32>
    %shift_right_logical3A_95 = arith.shrui %xor3A_88, %shift_right_logical3A_94 : vector<128x2048xi32>
    %or3A_96 = arith.ori %shift_left3A_92, %shift_right_logical3A_95 : vector<128x2048xi32>
    %xor3A_97 = arith.xori %or3A_96, %add3A_89 : vector<128x2048xi32>
    %add3A_98 = arith.addi %add3A_89, %xor3A_97 : vector<128x2048xi32>
    %shift_left3A_99 = arith.constant 24 : i32
    %shift_left3A_100 = vector.broadcast %shift_left3A_99 : i32 to vector<128x2048xi32>
    %shift_left3A_101 = arith.shli %xor3A_97, %shift_left3A_100 : vector<128x2048xi32>
    %shift_right_logical3A_102 = arith.constant 8 : i32
    %shift_right_logical3A_103 = vector.broadcast %shift_right_logical3A_102 : i32 to vector<128x2048xi32>
    %shift_right_logical3A_104 = arith.shrui %xor3A_97, %shift_right_logical3A_103 : vector<128x2048xi32>
    %or3A_105 = arith.ori %shift_left3A_101, %shift_right_logical3A_104 : vector<128x2048xi32>
    %xor3A_106 = arith.xori %or3A_105, %add3A_98 : vector<128x2048xi32>
    %add3A_107 = arith.constant -712787917 : i32
    %add3A_108 = vector.broadcast %add3A_107 : i32 to vector<128x2048xi32>
    %add3A_109 = arith.addi %add3A_98, %add3A_108 : vector<128x2048xi32>
    %add3A_110 = arith.constant -1417863909 : i32
    %add3A_111 = vector.broadcast %add3A_110 : i32 to vector<128x2048xi32>
    %add3A_112 = arith.addi %xor3A_106, %add3A_111 : vector<128x2048xi32>
    %add3A_113 = arith.constant 2 : i32
    %add3A_114 = vector.broadcast %add3A_113 : i32 to vector<128x2048xi32>
    %add3A_115 = arith.addi %add3A_112, %add3A_114 : vector<128x2048xi32>
    %add3A_116 = arith.addi %add3A_109, %add3A_115 : vector<128x2048xi32>
    %shift_left3A_117 = arith.constant 13 : i32
    %shift_left3A_118 = vector.broadcast %shift_left3A_117 : i32 to vector<128x2048xi32>
    %shift_left3A_119 = arith.shli %add3A_115, %shift_left3A_118 : vector<128x2048xi32>
    %shift_right_logical3A_120 = arith.constant 19 : i32
    %shift_right_logical3A_121 = vector.broadcast %shift_right_logical3A_120 : i32 to vector<128x2048xi32>
    %shift_right_logical3A_122 = arith.shrui %add3A_115, %shift_right_logical3A_121 : vector<128x2048xi32>
    %or3A_123 = arith.ori %shift_left3A_119, %shift_right_logical3A_122 : vector<128x2048xi32>
    %xor3A_124 = arith.xori %or3A_123, %add3A_116 : vector<128x2048xi32>
    %add3A_125 = arith.addi %add3A_116, %xor3A_124 : vector<128x2048xi32>
    %shift_left3A_126 = arith.constant 15 : i32
    %shift_left3A_127 = vector.broadcast %shift_left3A_126 : i32 to vector<128x2048xi32>
    %shift_left3A_128 = arith.shli %xor3A_124, %shift_left3A_127 : vector<128x2048xi32>
    %shift_right_logical3A_129 = arith.constant 17 : i32
    %shift_right_logical3A_130 = vector.broadcast %shift_right_logical3A_129 : i32 to vector<128x2048xi32>
    %shift_right_logical3A_131 = arith.shrui %xor3A_124, %shift_right_logical3A_130 : vector<128x2048xi32>
    %or3A_132 = arith.ori %shift_left3A_128, %shift_right_logical3A_131 : vector<128x2048xi32>
    %xor3A_133 = arith.xori %or3A_132, %add3A_125 : vector<128x2048xi32>
    %add3A_134 = arith.addi %add3A_125, %xor3A_133 : vector<128x2048xi32>
    %shift_left3A_135 = arith.constant 26 : i32
    %shift_left3A_136 = vector.broadcast %shift_left3A_135 : i32 to vector<128x2048xi32>
    %shift_left3A_137 = arith.shli %xor3A_133, %shift_left3A_136 : vector<128x2048xi32>
    %shift_right_logical3A_138 = arith.constant 6 : i32
    %shift_right_logical3A_139 = vector.broadcast %shift_right_logical3A_138 : i32 to vector<128x2048xi32>
    %shift_right_logical3A_140 = arith.shrui %xor3A_133, %shift_right_logical3A_139 : vector<128x2048xi32>
    %or3A_141 = arith.ori %shift_left3A_137, %shift_right_logical3A_140 : vector<128x2048xi32>
    %xor3A_142 = arith.xori %or3A_141, %add3A_134 : vector<128x2048xi32>
    %add3A_143 = arith.addi %add3A_134, %xor3A_142 : vector<128x2048xi32>
    %shift_left3A_144 = arith.constant 6 : i32
    %shift_left3A_145 = vector.broadcast %shift_left3A_144 : i32 to vector<128x2048xi32>
    %shift_left3A_146 = arith.shli %xor3A_142, %shift_left3A_145 : vector<128x2048xi32>
    %shift_right_logical3A_147 = arith.constant 26 : i32
    %shift_right_logical3A_148 = vector.broadcast %shift_right_logical3A_147 : i32 to vector<128x2048xi32>
    %shift_right_logical3A_149 = arith.shrui %xor3A_142, %shift_right_logical3A_148 : vector<128x2048xi32>
    %or3A_150 = arith.ori %shift_left3A_146, %shift_right_logical3A_149 : vector<128x2048xi32>
    %xor3A_151 = arith.xori %or3A_150, %add3A_143 : vector<128x2048xi32>
    %add3A_152 = arith.constant -1417863909 : i32
    %add3A_153 = vector.broadcast %add3A_152 : i32 to vector<128x2048xi32>
    %add3A_154 = arith.addi %add3A_143, %add3A_153 : vector<128x2048xi32>
    %add3A_155 = arith.constant 1697627890 : i32
    %add3A_156 = vector.broadcast %add3A_155 : i32 to vector<128x2048xi32>
    %add3A_157 = arith.addi %xor3A_151, %add3A_156 : vector<128x2048xi32>
    %add3A_158 = arith.constant 3 : i32
    %add3A_159 = vector.broadcast %add3A_158 : i32 to vector<128x2048xi32>
    %add3A_160 = arith.addi %add3A_157, %add3A_159 : vector<128x2048xi32>
    %add3A_161 = arith.addi %add3A_154, %add3A_160 : vector<128x2048xi32>
    %shift_left3A_162 = arith.constant 17 : i32
    %shift_left3A_163 = vector.broadcast %shift_left3A_162 : i32 to vector<128x2048xi32>
    %shift_left3A_164 = arith.shli %add3A_160, %shift_left3A_163 : vector<128x2048xi32>
    %shift_right_logical3A_165 = arith.constant 15 : i32
    %shift_right_logical3A_166 = vector.broadcast %shift_right_logical3A_165 : i32 to vector<128x2048xi32>
    %shift_right_logical3A_167 = arith.shrui %add3A_160, %shift_right_logical3A_166 : vector<128x2048xi32>
    %or3A_168 = arith.ori %shift_left3A_164, %shift_right_logical3A_167 : vector<128x2048xi32>
    %xor3A_169 = arith.xori %or3A_168, %add3A_161 : vector<128x2048xi32>
    %add3A_170 = arith.addi %add3A_161, %xor3A_169 : vector<128x2048xi32>
    %shift_left3A_171 = arith.constant 29 : i32
    %shift_left3A_172 = vector.broadcast %shift_left3A_171 : i32 to vector<128x2048xi32>
    %shift_left3A_173 = arith.shli %xor3A_169, %shift_left3A_172 : vector<128x2048xi32>
    %shift_right_logical3A_174 = arith.constant 3 : i32
    %shift_right_logical3A_175 = vector.broadcast %shift_right_logical3A_174 : i32 to vector<128x2048xi32>
    %shift_right_logical3A_176 = arith.shrui %xor3A_169, %shift_right_logical3A_175 : vector<128x2048xi32>
    %or3A_177 = arith.ori %shift_left3A_173, %shift_right_logical3A_176 : vector<128x2048xi32>
    %xor3A_178 = arith.xori %or3A_177, %add3A_170 : vector<128x2048xi32>
    %add3A_179 = arith.addi %add3A_170, %xor3A_178 : vector<128x2048xi32>
    %shift_left3A_180 = arith.constant 16 : i32
    %shift_left3A_181 = vector.broadcast %shift_left3A_180 : i32 to vector<128x2048xi32>
    %shift_left3A_182 = arith.shli %xor3A_178, %shift_left3A_181 : vector<128x2048xi32>
    %shift_right_logical3A_183 = arith.constant 16 : i32
    %shift_right_logical3A_184 = vector.broadcast %shift_right_logical3A_183 : i32 to vector<128x2048xi32>
    %shift_right_logical3A_185 = arith.shrui %xor3A_178, %shift_right_logical3A_184 : vector<128x2048xi32>
    %or3A_186 = arith.ori %shift_left3A_182, %shift_right_logical3A_185 : vector<128x2048xi32>
    %xor3A_187 = arith.xori %or3A_186, %add3A_179 : vector<128x2048xi32>
    %add3A_188 = arith.addi %add3A_179, %xor3A_187 : vector<128x2048xi32>
    %shift_left3A_189 = arith.constant 24 : i32
    %shift_left3A_190 = vector.broadcast %shift_left3A_189 : i32 to vector<128x2048xi32>
    %shift_left3A_191 = arith.shli %xor3A_187, %shift_left3A_190 : vector<128x2048xi32>
    %shift_right_logical3A_192 = arith.constant 8 : i32
    %shift_right_logical3A_193 = vector.broadcast %shift_right_logical3A_192 : i32 to vector<128x2048xi32>
    %shift_right_logical3A_194 = arith.shrui %xor3A_187, %shift_right_logical3A_193 : vector<128x2048xi32>
    %or3A_195 = arith.ori %shift_left3A_191, %shift_right_logical3A_194 : vector<128x2048xi32>
    %xor3A_196 = arith.xori %or3A_195, %add3A_188 : vector<128x2048xi32>
    %add3A_197 = arith.constant 1697627890 : i32
    %add3A_198 = vector.broadcast %add3A_197 : i32 to vector<128x2048xi32>
    %add3A_199 = arith.addi %add3A_188, %add3A_198 : vector<128x2048xi32>
    %add3A_200 = arith.constant -712787917 : i32
    %add3A_201 = vector.broadcast %add3A_200 : i32 to vector<128x2048xi32>
    %add3A_202 = arith.addi %xor3A_196, %add3A_201 : vector<128x2048xi32>
    %add3A_203 = arith.constant 4 : i32
    %add3A_204 = vector.broadcast %add3A_203 : i32 to vector<128x2048xi32>
    %add3A_205 = arith.addi %add3A_202, %add3A_204 : vector<128x2048xi32>
    %add3A_206 = arith.addi %add3A_199, %add3A_205 : vector<128x2048xi32>
    %shift_left3A_207 = arith.constant 13 : i32
    %shift_left3A_208 = vector.broadcast %shift_left3A_207 : i32 to vector<128x2048xi32>
    %shift_left3A_209 = arith.shli %add3A_205, %shift_left3A_208 : vector<128x2048xi32>
    %shift_right_logical3A_210 = arith.constant 19 : i32
    %shift_right_logical3A_211 = vector.broadcast %shift_right_logical3A_210 : i32 to vector<128x2048xi32>
    %shift_right_logical3A_212 = arith.shrui %add3A_205, %shift_right_logical3A_211 : vector<128x2048xi32>
    %or3A_213 = arith.ori %shift_left3A_209, %shift_right_logical3A_212 : vector<128x2048xi32>
    %xor3A_214 = arith.xori %or3A_213, %add3A_206 : vector<128x2048xi32>
    %add3A_215 = arith.addi %add3A_206, %xor3A_214 : vector<128x2048xi32>
    %shift_left3A_216 = arith.constant 15 : i32
    %shift_left3A_217 = vector.broadcast %shift_left3A_216 : i32 to vector<128x2048xi32>
    %shift_left3A_218 = arith.shli %xor3A_214, %shift_left3A_217 : vector<128x2048xi32>
    %shift_right_logical3A_219 = arith.constant 17 : i32
    %shift_right_logical3A_220 = vector.broadcast %shift_right_logical3A_219 : i32 to vector<128x2048xi32>
    %shift_right_logical3A_221 = arith.shrui %xor3A_214, %shift_right_logical3A_220 : vector<128x2048xi32>
    %or3A_222 = arith.ori %shift_left3A_218, %shift_right_logical3A_221 : vector<128x2048xi32>
    %xor3A_223 = arith.xori %or3A_222, %add3A_215 : vector<128x2048xi32>
    %add3A_224 = arith.addi %add3A_215, %xor3A_223 : vector<128x2048xi32>
    %shift_left3A_225 = arith.constant 26 : i32
    %shift_left3A_226 = vector.broadcast %shift_left3A_225 : i32 to vector<128x2048xi32>
    %shift_left3A_227 = arith.shli %xor3A_223, %shift_left3A_226 : vector<128x2048xi32>
    %shift_right_logical3A_228 = arith.constant 6 : i32
    %shift_right_logical3A_229 = vector.broadcast %shift_right_logical3A_228 : i32 to vector<128x2048xi32>
    %shift_right_logical3A_230 = arith.shrui %xor3A_223, %shift_right_logical3A_229 : vector<128x2048xi32>
    %or3A_231 = arith.ori %shift_left3A_227, %shift_right_logical3A_230 : vector<128x2048xi32>
    %xor3A_232 = arith.xori %or3A_231, %add3A_224 : vector<128x2048xi32>
    %add3A_233 = arith.addi %add3A_224, %xor3A_232 : vector<128x2048xi32>
    %shift_left3A_234 = arith.constant 6 : i32
    %shift_left3A_235 = vector.broadcast %shift_left3A_234 : i32 to vector<128x2048xi32>
    %shift_left3A_236 = arith.shli %xor3A_232, %shift_left3A_235 : vector<128x2048xi32>
    %shift_right_logical3A_237 = arith.constant 26 : i32
    %shift_right_logical3A_238 = vector.broadcast %shift_right_logical3A_237 : i32 to vector<128x2048xi32>
    %shift_right_logical3A_239 = arith.shrui %xor3A_232, %shift_right_logical3A_238 : vector<128x2048xi32>
    %or3A_240 = arith.ori %shift_left3A_236, %shift_right_logical3A_239 : vector<128x2048xi32>
    %xor3A_241 = arith.xori %or3A_240, %add3A_233 : vector<128x2048xi32>
    %add3A_242 = arith.constant -712787917 : i32
    %add3A_243 = vector.broadcast %add3A_242 : i32 to vector<128x2048xi32>
    %add3A_244 = arith.addi %add3A_233, %add3A_243 : vector<128x2048xi32>
    %add3A_245 = arith.constant -1417863909 : i32
    %add3A_246 = vector.broadcast %add3A_245 : i32 to vector<128x2048xi32>
    %add3A_247 = arith.addi %xor3A_241, %add3A_246 : vector<128x2048xi32>
    %add3A_248 = arith.constant 5 : i32
    %add3A_249 = vector.broadcast %add3A_248 : i32 to vector<128x2048xi32>
    %add3A_250 = arith.addi %add3A_247, %add3A_249 : vector<128x2048xi32>
    %xor3A_251 = arith.xori %add3A_244, %add3A_250 : vector<128x2048xi32>
    %shift_right_logical3A_252 = arith.constant 9 : i32
    %shift_right_logical3A_253 = vector.broadcast %shift_right_logical3A_252 : i32 to vector<128x2048xi32>
    %shift_right_logical3A_254 = arith.shrui %xor3A_251, %shift_right_logical3A_253 : vector<128x2048xi32>
    %or3A_255 = arith.constant 1065353216 : i32
    %or3A_256 = vector.broadcast %or3A_255 : i32 to vector<128x2048xi32>
    %or3A_257 = arith.ori %shift_right_logical3A_254, %or3A_256 : vector<128x2048xi32>
    %bitcast_convert_type3A = tpu.bitcast %or3A_257 : vector<128x2048xi32> -> vector<128x2048xf32>
    %sub3A = arith.constant 1.000000e+00 : f32
    %sub3A_258 = vector.broadcast %sub3A : f32 to vector<128x2048xf32>
    %sub3A_259 = arith.subf %bitcast_convert_type3A, %sub3A_258 : vector<128x2048xf32>
    %add3A_260 = arith.constant 1.17549435E-38 : f32
    %add3A_261 = vector.broadcast %add3A_260 : f32 to vector<128x2048xf32>
    %add3A_262 = arith.addf %sub3A_259, %add3A_261 : vector<128x2048xf32>
    %max3A = arith.constant 1.17549435E-38 : f32
    %max3A_263 = vector.broadcast %max3A : f32 to vector<128x2048xf32>
    %max3A_264 = arith.maximumf %max3A_263, %add3A_262 : vector<128x2048xf32>
    %log3A = math.log %max3A_264 : vector<128x2048xf32>
    %neg3A = arith.constant 0.000000e+00 : f32
    %neg3A_265 = vector.broadcast %neg3A : f32 to vector<128x2048xf32>
    %neg3A_266 = arith.subf %neg3A_265, %log3A : vector<128x2048xf32>
    %log3A_267 = math.log %neg3A_266 : vector<128x2048xf32>
    %neg3A_268 = arith.constant 0.000000e+00 : f32
    %neg3A_269 = vector.broadcast %neg3A_268 : f32 to vector<128x2048xf32>
    %neg3A_270 = arith.subf %neg3A_269, %log3A_267 : vector<128x2048xf32>
    %get3A_271 = arith.constant 0 : index
    %get3A_272 = arith.constant 0 : index
    %get3A_273 = vector.load %arg4[%get3A_271, %get3A_272] : memref<128x2048xi32, #tpu.memory_space<vmem>>, vector<128x2048xi32>
    %get3A_274 = arith.constant dense<0> : vector<128x2048xi32>
    %get3A_275 = arith.cmpi ne, %get3A_273, %get3A_274 : vector<128x2048xi32>
    %lt3A = arith.constant 100000 : i32
    %lt3A_276 = vector.broadcast %lt3A : i32 to vector<128x2048xi32>
    %lt3A_277 = arith.cmpi slt, %add3A_18, %lt3A_276 : vector<128x2048xi32>
    %and3A = arith.andi %get3A_275, %lt3A_277 : vector<128x2048xi1>
    %add3A_278 = arith.addf %add3A_9, %neg3A_270 : vector<128x2048xf32>
    %jit3A = arith.constant -1.000000e+09 : f32
    %broadcast_in_dim3A_279 = vector.broadcast %jit3A : f32 to vector<128x2048xf32>
    %select_n3A = arith.select %and3A, %add3A_278, %broadcast_in_dim3A_279 : vector<128x2048xi1>, vector<128x2048xf32>
    %reduce_max3A = arith.constant dense<0xFF800000> : vector<128xf32>
    %reduce_max3A_280 = vector.multi_reduction <maximumf>, %select_n3A, %reduce_max3A [1] : vector<128x2048xf32> to vector<128xf32>
    %broadcast_in_dim3A_281 = vector.shape_cast %reduce_max3A_280 : vector<128xf32> to vector<128x1xf32>
    %argmax3A = tpu.reduce_index %select_n3A {axis = 1 : i32, kind = #tpu.reduction_kind<arg_max>} : vector<128x2048xf32> -> vector<128xi32>
    %mul3A_282 = arith.constant 2048 : i32
    %mul3A_283 = arith.muli %arg0, %mul3A_282 : i32
    %add3A_284 = vector.broadcast %mul3A_283 : i32 to vector<128xi32>
    %add3A_285 = arith.addi %argmax3A, %add3A_284 : vector<128xi32>
    %broadcast_in_dim3A_286 = vector.shape_cast %add3A_285 : vector<128xi32> to vector<128x1xi32>
    %eq3A = arith.constant 0 : i32
    %eq3A_287 = arith.cmpi eq, %arg0, %eq3A : i32
    %convert_element_type3A = arith.extui %eq3A_287 : i1 to i32
    %cond3A = arith.constant 0 : i32
    %cond3A_288 = arith.cmpi ne, %convert_element_type3A, %cond3A : i32
    scf.if %cond3A_288 {
      %swap3A_299 = arith.constant 0 : index
      %swap3A_300 = arith.constant 0 : index
      %swap3A_301 = vector.load %arg7[%swap3A_299, %swap3A_300] : memref<128x1xf32, #tpu.memory_space<vmem>>, vector<128x1xf32>
      tpu.vector_store %arg7[%swap3A_299, %swap3A_300], %broadcast_in_dim3A_281 {strides = array<i32>} : memref<128x1xf32, #tpu.memory_space<vmem>>, vector<128x1xf32>,
      %swap3A_302 = arith.constant 0 : index
      %swap3A_303 = arith.constant 0 : index
      %swap3A_304 = vector.load %arg8[%swap3A_302, %swap3A_303] : memref<128x1xi32, #tpu.memory_space<vmem>>, vector<128x1xi32>
      tpu.vector_store %arg8[%swap3A_302, %swap3A_303], %broadcast_in_dim3A_286 {strides = array<i32>} : memref<128x1xi32, #tpu.memory_space<vmem>>, vector<128x1xi32>,
    } else {
    }
    %gt3A = arith.constant 0 : i32
    %gt3A_289 = arith.cmpi sgt, %arg0, %gt3A : i32
    %convert_element_type3A_290 = arith.extui %gt3A_289 : i1 to i32
    %cond3A_291 = arith.constant 0 : i32
    %cond3A_292 = arith.cmpi ne, %convert_element_type3A_290, %cond3A_291 : i32
    scf.if %cond3A_292 {
      %get3A_299 = arith.constant 0 : index
      %get3A_300 = arith.constant 0 : index
      %get3A_301 = vector.load %arg7[%get3A_299, %get3A_300] : memref<128x1xf32, #tpu.memory_space<vmem>>, vector<128x1xf32>
      %gt3A_302 = arith.cmpf ogt, %broadcast_in_dim3A_281, %get3A_301 : vector<128x1xf32>
      %get3A_303 = arith.constant 0 : index
      %get3A_304 = arith.constant 0 : index
      %get3A_305 = vector.load %arg7[%get3A_303, %get3A_304] : memref<128x1xf32, #tpu.memory_space<vmem>>, vector<128x1xf32>
      %select_n3A_306 = arith.select %gt3A_302, %broadcast_in_dim3A_281, %get3A_305 : vector<128x1xi1>, vector<128x1xf32>
      %swap3A_307 = arith.constant 0 : index
      %swap3A_308 = arith.constant 0 : index
      %swap3A_309 = vector.load %arg7[%swap3A_307, %swap3A_308] : memref<128x1xf32, #tpu.memory_space<vmem>>, vector<128x1xf32>
      tpu.vector_store %arg7[%swap3A_307, %swap3A_308], %select_n3A_306 {strides = array<i32>} : memref<128x1xf32, #tpu.memory_space<vmem>>, vector<128x1xf32>,
      %get3A_310 = arith.constant 0 : index
      %get3A_311 = arith.constant 0 : index
      %get3A_312 = vector.load %arg8[%get3A_310, %get3A_311] : memref<128x1xi32, #tpu.memory_space<vmem>>, vector<128x1xi32>
      %select_n3A_313 = arith.select %gt3A_302, %broadcast_in_dim3A_286, %get3A_312 : vector<128x1xi1>, vector<128x1xi32>
      %swap3A_314 = arith.constant 0 : index
      %swap3A_315 = arith.constant 0 : index
      %swap3A_316 = vector.load %arg8[%swap3A_314, %swap3A_315] : memref<128x1xi32, #tpu.memory_space<vmem>>, vector<128x1xi32>
      tpu.vector_store %arg8[%swap3A_314, %swap3A_315], %select_n3A_313 {strides = array<i32>} : memref<128x1xi32, #tpu.memory_space<vmem>>, vector<128x1xi32>,
    } else {
    }
    %get3A_293 = arith.constant 0 : index
    %get3A_294 = arith.constant 0 : index
    %get3A_295 = vector.load %arg8[%get3A_293, %get3A_294] : memref<128x1xi32, #tpu.memory_space<vmem>>, vector<128x1xi32>
    %swap3A_296 = arith.constant 0 : index
    %swap3A_297 = arith.constant 0 : index
    %swap3A_298 = vector.load %arg6[%swap3A_296, %swap3A_297] : memref<128x1xi32, #tpu.memory_space<vmem>>, vector<128x1xi32>
    tpu.vector_store %arg6[%swap3A_296, %swap3A_297], %get3A_295 {strides = array<i32>} : memref<128x1xi32, #tpu.memory_space<vmem>>, vector<128x1xi32>,
    return
  }
  func.func @transform_0(%arg0: i32) -> (i32, i32) {
    %c0_i32 = arith.constant 0 : i32
    %c0_i32_0 = arith.constant 0 : i32
    %c0_i32_1 = arith.constant 0 : i32
    return %c0_i32, %c0_i32_0 : i32, i32
  }
  func.func @transform_1(%arg0: i32) -> (i32, i32) {
    %c0_i32 = arith.constant 0 : i32
    %c0_i32_0 = arith.constant 0 : i32
    return %arg0, %c0_i32 : i32, i32
  }
  func.func @transform_2(%arg0: i32) -> (i32, i32) {
    %c0_i32 = arith.constant 0 : i32
    %c0_i32_0 = arith.constant 0 : i32
    return %c0_i32, %arg0 : i32, i32
  }
  func.func @transform_3(%arg0: i32) -> (i32, i32) {
    %c0_i32 = arith.constant 0 : i32
    %c0_i32_0 = arith.constant 0 : i32
    return %c0_i32, %arg0 : i32, i32
  }
  func.func @transform_4(%arg0: i32) -> (i32, i32, i32) {
    %c0_i32 = arith.constant 0 : i32
    %c0_i32_0 = arith.constant 0 : i32
    %c0_i32_1 = arith.constant 0 : i32
    return %c0_i32, %c0_i32_0, %arg0 : i32, i32, i32
  }
  func.func @transform_5(%arg0: i32) -> (i32, i32) {
    %c0_i32 = arith.constant 0 : i32
    %c0_i32_0 = arith.constant 0 : i32
    %c0_i32_1 = arith.constant 0 : i32
    return %c0_i32, %c0_i32_0 : i32, i32
  }
}

module attributes {stable_mosaic.version = 14 : i64} {
  func.func @_head_body(%arg0: i32, %arg1: memref<128x128xf32, #tpu.memory_space<vmem>>, %arg2: memref<2048x128xf32, #tpu.memory_space<vmem>>, %arg3: memref<1x2048xf32, #tpu.memory_space<vmem>>, %arg4: memref<128x2048xi32, #tpu.memory_space<vmem>>, %arg5: memref<2x128x100000xf32, #tpu.memory_space<hbm>>, %arg6: memref<1x128x2048xf32, #tpu.memory_space<vmem>>, %arg7: memref<128x1xi32, #tpu.memory_space<vmem>>, %arg8: memref<128x1xf32, #tpu.memory_space<vmem>>, %arg9: memref<128x1xi32, #tpu.memory_space<vmem>>) attributes {dimension_semantics = [#tpu.dimension_semantics<arbitrary>], iteration_bounds = array<i64: 49>, scalar_prefetch = 0 : i64, scratch_operands = 2 : i64, tpu.core_type = #tpu.core_type<tc>, window_params = [{pipeline_mode = #tpu.pipeline_mode<synchronous>, transform_indices = @transform_0, window_bounds = array<i64: 128, 128>}, {transform_indices = @transform_1, window_bounds = array<i64: 2048, 128>}, {transform_indices = @transform_2, window_bounds = array<i64: 1, 2048>}, {transform_indices = @transform_3, window_bounds = array<i64: 128, 2048>}, {}, {transform_indices = @transform_5, window_bounds = array<i64: 1, 128, 2048>}, {pipeline_mode = #tpu.pipeline_mode<synchronous>, transform_indices = @transform_6, window_bounds = array<i64: 128, 1>}]} {
    %get3A = arith.constant 0 : index
    %get3A_0 = arith.constant 0 : index
    %get3A_1 = vector.load %arg1[%get3A, %get3A_0] : memref<128x128xf32, #tpu.memory_space<vmem>>, vector<128x128xf32>
    %get3A_2 = arith.constant 0 : index
    %get3A_3 = arith.constant 0 : index
    %get3A_4 = vector.load %arg2[%get3A_2, %get3A_3] : memref<2048x128xf32, #tpu.memory_space<vmem>>, vector<2048x128xf32>
    %dot_general3A = arith.constant dense<0.000000e+00> : vector<128x2048xf32>
    %dot_general3A_5 = tpu.matmul %get3A_1, %get3A_4, %dot_general3A {dimension_numbers = #tpu.dot_dimension_numbers<[1], [1], [0], [0], [0, 0, 1, 0], [], []>, transpose_lhs_hint = false} : vector<128x128xf32>, vector<2048x128xf32>, vector<128x2048xf32> -> vector<128x2048xf32>
    %get3A_6 = arith.constant 0 : index
    %get3A_7 = arith.constant 0 : index
    %get3A_8 = vector.load %arg3[%get3A_6, %get3A_7] : memref<1x2048xf32, #tpu.memory_space<vmem>>, vector<1x2048xf32>
    %add3A = vector.broadcast %get3A_8 : vector<1x2048xf32> to vector<128x2048xf32>
    %add3A_9 = arith.addf %dot_general3A_5, %add3A : vector<128x2048xf32>
    %swap3A = arith.constant 0 : index
    %swap3A_10 = arith.constant 0 : index
    %swap3A_11 = arith.constant 0 : index
    %swap3A_12 = vector.load %arg6[%swap3A, %swap3A_10, %swap3A_11] : memref<1x128x2048xf32, #tpu.memory_space<vmem>>, vector<1x128x2048xf32>
    %swap3A_13 = vector.shape_cast %swap3A_12 : vector<1x128x2048xf32> to vector<128x2048xf32>
    %swap3A_14 = vector.shape_cast %add3A_9 : vector<128x2048xf32> to vector<1x128x2048xf32>
    tpu.vector_store %arg6[%swap3A, %swap3A_10, %swap3A_11], %swap3A_14 {strides = array<i32>} : memref<1x128x2048xf32, #tpu.memory_space<vmem>>, vector<1x128x2048xf32>,
    %iota3A = tpu.iota {dimensions = array<i32: 0>} : vector<128x2048xi32>
    %iota3A_15 = tpu.iota {dimensions = array<i32: 1>} : vector<128x2048xi32>
    %mul3A = arith.constant 2048 : i32
    %mul3A_16 = arith.muli %arg0, %mul3A : i32
    %add3A_17 = vector.broadcast %mul3A_16 : i32 to vector<128x2048xi32>
    %add3A_18 = arith.addi %iota3A_15, %add3A_17 : vector<128x2048xi32>
    %mul3A_19 = arith.constant 100000 : i32
    %mul3A_20 = vector.broadcast %mul3A_19 : i32 to vector<128x2048xi32>
    %mul3A_21 = arith.muli %iota3A, %mul3A_20 : vector<128x2048xi32>
    %add3A_22 = arith.addi %mul3A_21, %add3A_18 : vector<128x2048xi32>
    %broadcast_in_dim3A = arith.constant 0 : i32
    %broadcast_in_dim3A_23 = vector.broadcast %broadcast_in_dim3A : i32 to vector<128x2048xi32>
    %add3A_24 = arith.constant -1942041222 : i32
    %add3A_25 = vector.broadcast %add3A_24 : i32 to vector<128x2048xi32>
    %add3A_26 = arith.addi %broadcast_in_dim3A_23, %add3A_25 : vector<128x2048xi32>
    %add3A_27 = arith.constant 781486348 : i32
    %add3A_28 = vector.broadcast %add3A_27 : i32 to vector<128x2048xi32>
    %add3A_29 = arith.addi %add3A_22, %add3A_28 : vector<128x2048xi32>
    %add3A_30 = arith.addi %add3A_26, %add3A_29 : vector<128x2048xi32>
    %shift_left3A = arith.constant 13 : i32
    %shift_left3A_31 = vector.broadcast %shift_left3A : i32 to vector<128x2048xi32>
    %shift_left3A_32 = arith.shli %add3A_29, %shift_left3A_31 : vector<128x2048xi32>
    %shift_right_logical3A = arith.constant 19 : i32
    %shift_right_logical3A_33 = vector.broadcast %shift_right_logical3A : i32 to vector<128x2048xi32>
    %shift_right_logical3A_34 = arith.shrui %add3A_29, %shift_right_logical3A_33 : vector<128x2048xi32>
    %or3A = arith.ori %shift_left3A_32, %shift_right_logical3A_34 : vector<128x2048xi32>
    %xor3A = arith.xori %or3A, %add3A_30 : vector<128x2048xi32>
    %add3A_35 = arith.addi %add3A_30, %xor3A : vector<128x2048xi32>
    %shift_left3A_36 = arith.constant 15 : i32
    %shift_left3A_37 = vector.broadcast %shift_left3A_36 : i32 to vector<128x2048xi32>
    %shift_left3A_38 = arith.shli %xor3A, %shift_left3A_37 : vector<128x2048xi32>
    %shift_right_logical3A_39 = arith.constant 17 : i32
    %shift_right_logical3A_40 = vector.broadcast %shift_right_logical3A_39 : i32 to vector<128x2048xi32>
    %shift_right_logical3A_41 = arith.shrui %xor3A, %shift_right_logical3A_40 : vector<128x2048xi32>
    %or3A_42 = arith.ori %shift_left3A_38, %shift_right_logical3A_41 : vector<128x2048xi32>
    %xor3A_43 = arith.xori %or3A_42, %add3A_35 : vector<128x2048xi32>
    %add3A_44 = arith.addi %add3A_35, %xor3A_43 : vector<128x2048xi32>
    %shift_left3A_45 = arith.constant 26 : i32
    %shift_left3A_46 = vector.broadcast %shift_left3A_45 : i32 to vector<128x2048xi32>
    %shift_left3A_47 = arith.shli %xor3A_43, %shift_left3A_46 : vector<128x2048xi32>
    %shift_right_logical3A_48 = arith.constant 6 : i32
    %shift_right_logical3A_49 = vector.broadcast %shift_right_logical3A_48 : i32 to vector<128x2048xi32>
    %shift_right_logical3A_50 = arith.shrui %xor3A_43, %shift_right_logical3A_49 : vector<128x2048xi32>
    %or3A_51 = arith.ori %shift_left3A_47, %shift_right_logical3A_50 : vector<128x2048xi32>
    %xor3A_52 = arith.xori %or3A_51, %add3A_44 : vector<128x2048xi32>
    %add3A_53 = arith.addi %add3A_44, %xor3A_52 : vector<128x2048xi32>
    %shift_left3A_54 = arith.constant 6 : i32
    %shift_left3A_55 = vector.broadcast %shift_left3A_54 : i32 to vector<128x2048xi32>
    %shift_left3A_56 = arith.shli %xor3A_52, %shift_left3A_55 : vector<128x2048xi32>
    %shift_right_logical3A_57 = arith.constant 26 : i32
    %shift_right_logical3A_58 = vector.broadcast %shift_right_logical3A_57 : i32 to vector<128x2048xi32>
    %shift_right_logical3A_59 = arith.shrui %xor3A_52, %shift_right_logical3A_58 : vector<128x2048xi32>
    %or3A_60 = arith.ori %shift_left3A_56, %shift_right_logical3A_59 : vector<128x2048xi32>
    %xor3A_61 = arith.xori %or3A_60, %add3A_53 : vector<128x2048xi32>
    %add3A_62 = arith.constant 781486348 : i32
    %add3A_63 = vector.broadcast %add3A_62 : i32 to vector<128x2048xi32>
    %add3A_64 = arith.addi %add3A_53, %add3A_63 : vector<128x2048xi32>
    %add3A_65 = arith.constant -1183096916 : i32
    %add3A_66 = vector.broadcast %add3A_65 : i32 to vector<128x2048xi32>
    %add3A_67 = arith.addi %xor3A_61, %add3A_66 : vector<128x2048xi32>
    %add3A_68 = arith.constant 1 : i32
    %add3A_69 = vector.broadcast %add3A_68 : i32 to vector<128x2048xi32>
    %add3A_70 = arith.addi %add3A_67, %add3A_69 : vector<128x2048xi32>
    %add3A_71 = arith.addi %add3A_64, %add3A_70 : vector<128x2048xi32>
    %shift_left3A_72 = arith.constant 17 : i32
    %shift_left3A_73 = vector.broadcast %shift_left3A_72 : i32 to vector<128x2048xi32>
    %shift_left3A_74 = arith.shli %add3A_70, %shift_left3A_73 : vector<128x2048xi32>
    %shift_right_logical3A_75 = arith.constant 15 : i32
    %shift_right_logical3A_76 = vector.broadcast %shift_right_logical3A_75 : i32 to vector<128x2048xi32>
    %shift_right_logical3A_77 = arith.shrui %add3A_70, %shift_right_logical3A_76 : vector<128x2048xi32>
    %or3A_78 = arith.ori %shift_left3A_74, %shift_right_logical3A_77 : vector<128x2048xi32>
    %xor3A_79 = arith.xori %or3A_78, %add3A_71 : vector<128x2048xi32>
    %add3A_80 = arith.addi %add3A_71, %xor3A_79 : vector<128x2048xi32>
    %shift_left3A_81 = arith.constant 29 : i32
    %shift_left3A_82 = vector.broadcast %shift_left3A_81 : i32 to vector<128x2048xi32>
    %shift_left3A_83 = arith.shli %xor3A_79, %shift_left3A_82 : vector<128x2048xi32>
    %shift_right_logical3A_84 = arith.constant 3 : i32
    %shift_right_logical3A_85 = vector.broadcast %shift_right_logical3A_84 : i32 to vector<128x2048xi32>
    %shift_right_logical3A_86 = arith.shrui %xor3A_79, %shift_right_logical3A_85 : vector<128x2048xi32>
    %or3A_87 = arith.ori %shift_left3A_83, %shift_right_logical3A_86 : vector<128x2048xi32>
    %xor3A_88 = arith.xori %or3A_87, %add3A_80 : vector<128x2048xi32>
    %add3A_89 = arith.addi %add3A_80, %xor3A_88 : vector<128x2048xi32>
    %shift_left3A_90 = arith.constant 16 : i32
    %shift_left3A_91 = vector.broadcast %shift_left3A_90 : i32 to vector<128x2048xi32>
    %shift_left3A_92 = arith.shli %xor3A_88, %shift_left3A_91 : vector<128x2048xi32>
    %shift_right_logical3A_93 = arith.constant 16 : i32
    %shift_right_logical3A_94 = vector.broadcast %shift_right_logical3A_93 : i32 to vector<128x2048xi32>
    %shift_right_logical3A_95 = arith.shrui %xor3A_88, %shift_right_logical3A_94 : vector<128x2048xi32>
    %or3A_96 = arith.ori %shift_left3A_92, %shift_right_logical3A_95 : vector<128x2048xi32>
    %xor3A_97 = arith.xori %or3A_96, %add3A_89 : vector<128x2048xi32>
    %add3A_98 = arith.addi %add3A_89, %xor3A_97 : vector<128x2048xi32>
    %shift_left3A_99 = arith.constant 24 : i32
    %shift_left3A_100 = vector.broadcast %shift_left3A_99 : i32 to vector<128x2048xi32>
    %shift_left3A_101 = arith.shli %xor3A_97, %shift_left3A_100 : vector<128x2048xi32>
    %shift_right_logical3A_102 = arith.constant 8 : i32
    %shift_right_logical3A_103 = vector.broadcast %shift_right_logical3A_102 : i32 to vector<128x2048xi32>
    %shift_right_logical3A_104 = arith.shrui %xor3A_97, %shift_right_logical3A_103 : vector<128x2048xi32>
    %or3A_105 = arith.ori %shift_left3A_101, %shift_right_logical3A_104 : vector<128x2048xi32>
    %xor3A_106 = arith.xori %or3A_105, %add3A_98 : vector<128x2048xi32>
    %add3A_107 = arith.constant -1183096916 : i32
    %add3A_108 = vector.broadcast %add3A_107 : i32 to vector<128x2048xi32>
    %add3A_109 = arith.addi %add3A_98, %add3A_108 : vector<128x2048xi32>
    %add3A_110 = arith.constant -1942041222 : i32
    %add3A_111 = vector.broadcast %add3A_110 : i32 to vector<128x2048xi32>
    %add3A_112 = arith.addi %xor3A_106, %add3A_111 : vector<128x2048xi32>
    %add3A_113 = arith.constant 2 : i32
    %add3A_114 = vector.broadcast %add3A_113 : i32 to vector<128x2048xi32>
    %add3A_115 = arith.addi %add3A_112, %add3A_114 : vector<128x2048xi32>
    %add3A_116 = arith.addi %add3A_109, %add3A_115 : vector<128x2048xi32>
    %shift_left3A_117 = arith.constant 13 : i32
    %shift_left3A_118 = vector.broadcast %shift_left3A_117 : i32 to vector<128x2048xi32>
    %shift_left3A_119 = arith.shli %add3A_115, %shift_left3A_118 : vector<128x2048xi32>
    %shift_right_logical3A_120 = arith.constant 19 : i32
    %shift_right_logical3A_121 = vector.broadcast %shift_right_logical3A_120 : i32 to vector<128x2048xi32>
    %shift_right_logical3A_122 = arith.shrui %add3A_115, %shift_right_logical3A_121 : vector<128x2048xi32>
    %or3A_123 = arith.ori %shift_left3A_119, %shift_right_logical3A_122 : vector<128x2048xi32>
    %xor3A_124 = arith.xori %or3A_123, %add3A_116 : vector<128x2048xi32>
    %add3A_125 = arith.addi %add3A_116, %xor3A_124 : vector<128x2048xi32>
    %shift_left3A_126 = arith.constant 15 : i32
    %shift_left3A_127 = vector.broadcast %shift_left3A_126 : i32 to vector<128x2048xi32>
    %shift_left3A_128 = arith.shli %xor3A_124, %shift_left3A_127 : vector<128x2048xi32>
    %shift_right_logical3A_129 = arith.constant 17 : i32
    %shift_right_logical3A_130 = vector.broadcast %shift_right_logical3A_129 : i32 to vector<128x2048xi32>
    %shift_right_logical3A_131 = arith.shrui %xor3A_124, %shift_right_logical3A_130 : vector<128x2048xi32>
    %or3A_132 = arith.ori %shift_left3A_128, %shift_right_logical3A_131 : vector<128x2048xi32>
    %xor3A_133 = arith.xori %or3A_132, %add3A_125 : vector<128x2048xi32>
    %add3A_134 = arith.addi %add3A_125, %xor3A_133 : vector<128x2048xi32>
    %shift_left3A_135 = arith.constant 26 : i32
    %shift_left3A_136 = vector.broadcast %shift_left3A_135 : i32 to vector<128x2048xi32>
    %shift_left3A_137 = arith.shli %xor3A_133, %shift_left3A_136 : vector<128x2048xi32>
    %shift_right_logical3A_138 = arith.constant 6 : i32
    %shift_right_logical3A_139 = vector.broadcast %shift_right_logical3A_138 : i32 to vector<128x2048xi32>
    %shift_right_logical3A_140 = arith.shrui %xor3A_133, %shift_right_logical3A_139 : vector<128x2048xi32>
    %or3A_141 = arith.ori %shift_left3A_137, %shift_right_logical3A_140 : vector<128x2048xi32>
    %xor3A_142 = arith.xori %or3A_141, %add3A_134 : vector<128x2048xi32>
    %add3A_143 = arith.addi %add3A_134, %xor3A_142 : vector<128x2048xi32>
    %shift_left3A_144 = arith.constant 6 : i32
    %shift_left3A_145 = vector.broadcast %shift_left3A_144 : i32 to vector<128x2048xi32>
    %shift_left3A_146 = arith.shli %xor3A_142, %shift_left3A_145 : vector<128x2048xi32>
    %shift_right_logical3A_147 = arith.constant 26 : i32
    %shift_right_logical3A_148 = vector.broadcast %shift_right_logical3A_147 : i32 to vector<128x2048xi32>
    %shift_right_logical3A_149 = arith.shrui %xor3A_142, %shift_right_logical3A_148 : vector<128x2048xi32>
    %or3A_150 = arith.ori %shift_left3A_146, %shift_right_logical3A_149 : vector<128x2048xi32>
    %xor3A_151 = arith.xori %or3A_150, %add3A_143 : vector<128x2048xi32>
    %add3A_152 = arith.constant -1942041222 : i32
    %add3A_153 = vector.broadcast %add3A_152 : i32 to vector<128x2048xi32>
    %add3A_154 = arith.addi %add3A_143, %add3A_153 : vector<128x2048xi32>
    %add3A_155 = arith.constant 781486348 : i32
    %add3A_156 = vector.broadcast %add3A_155 : i32 to vector<128x2048xi32>
    %add3A_157 = arith.addi %xor3A_151, %add3A_156 : vector<128x2048xi32>
    %add3A_158 = arith.constant 3 : i32
    %add3A_159 = vector.broadcast %add3A_158 : i32 to vector<128x2048xi32>
    %add3A_160 = arith.addi %add3A_157, %add3A_159 : vector<128x2048xi32>
    %add3A_161 = arith.addi %add3A_154, %add3A_160 : vector<128x2048xi32>
    %shift_left3A_162 = arith.constant 17 : i32
    %shift_left3A_163 = vector.broadcast %shift_left3A_162 : i32 to vector<128x2048xi32>
    %shift_left3A_164 = arith.shli %add3A_160, %shift_left3A_163 : vector<128x2048xi32>
    %shift_right_logical3A_165 = arith.constant 15 : i32
    %shift_right_logical3A_166 = vector.broadcast %shift_right_logical3A_165 : i32 to vector<128x2048xi32>
    %shift_right_logical3A_167 = arith.shrui %add3A_160, %shift_right_logical3A_166 : vector<128x2048xi32>
    %or3A_168 = arith.ori %shift_left3A_164, %shift_right_logical3A_167 : vector<128x2048xi32>
    %xor3A_169 = arith.xori %or3A_168, %add3A_161 : vector<128x2048xi32>
    %add3A_170 = arith.addi %add3A_161, %xor3A_169 : vector<128x2048xi32>
    %shift_left3A_171 = arith.constant 29 : i32
    %shift_left3A_172 = vector.broadcast %shift_left3A_171 : i32 to vector<128x2048xi32>
    %shift_left3A_173 = arith.shli %xor3A_169, %shift_left3A_172 : vector<128x2048xi32>
    %shift_right_logical3A_174 = arith.constant 3 : i32
    %shift_right_logical3A_175 = vector.broadcast %shift_right_logical3A_174 : i32 to vector<128x2048xi32>
    %shift_right_logical3A_176 = arith.shrui %xor3A_169, %shift_right_logical3A_175 : vector<128x2048xi32>
    %or3A_177 = arith.ori %shift_left3A_173, %shift_right_logical3A_176 : vector<128x2048xi32>
    %xor3A_178 = arith.xori %or3A_177, %add3A_170 : vector<128x2048xi32>
    %add3A_179 = arith.addi %add3A_170, %xor3A_178 : vector<128x2048xi32>
    %shift_left3A_180 = arith.constant 16 : i32
    %shift_left3A_181 = vector.broadcast %shift_left3A_180 : i32 to vector<128x2048xi32>
    %shift_left3A_182 = arith.shli %xor3A_178, %shift_left3A_181 : vector<128x2048xi32>
    %shift_right_logical3A_183 = arith.constant 16 : i32
    %shift_right_logical3A_184 = vector.broadcast %shift_right_logical3A_183 : i32 to vector<128x2048xi32>
    %shift_right_logical3A_185 = arith.shrui %xor3A_178, %shift_right_logical3A_184 : vector<128x2048xi32>
    %or3A_186 = arith.ori %shift_left3A_182, %shift_right_logical3A_185 : vector<128x2048xi32>
    %xor3A_187 = arith.xori %or3A_186, %add3A_179 : vector<128x2048xi32>
    %add3A_188 = arith.addi %add3A_179, %xor3A_187 : vector<128x2048xi32>
    %shift_left3A_189 = arith.constant 24 : i32
    %shift_left3A_190 = vector.broadcast %shift_left3A_189 : i32 to vector<128x2048xi32>
    %shift_left3A_191 = arith.shli %xor3A_187, %shift_left3A_190 : vector<128x2048xi32>
    %shift_right_logical3A_192 = arith.constant 8 : i32
    %shift_right_logical3A_193 = vector.broadcast %shift_right_logical3A_192 : i32 to vector<128x2048xi32>
    %shift_right_logical3A_194 = arith.shrui %xor3A_187, %shift_right_logical3A_193 : vector<128x2048xi32>
    %or3A_195 = arith.ori %shift_left3A_191, %shift_right_logical3A_194 : vector<128x2048xi32>
    %xor3A_196 = arith.xori %or3A_195, %add3A_188 : vector<128x2048xi32>
    %add3A_197 = arith.constant 781486348 : i32
    %add3A_198 = vector.broadcast %add3A_197 : i32 to vector<128x2048xi32>
    %add3A_199 = arith.addi %add3A_188, %add3A_198 : vector<128x2048xi32>
    %add3A_200 = arith.constant -1183096916 : i32
    %add3A_201 = vector.broadcast %add3A_200 : i32 to vector<128x2048xi32>
    %add3A_202 = arith.addi %xor3A_196, %add3A_201 : vector<128x2048xi32>
    %add3A_203 = arith.constant 4 : i32
    %add3A_204 = vector.broadcast %add3A_203 : i32 to vector<128x2048xi32>
    %add3A_205 = arith.addi %add3A_202, %add3A_204 : vector<128x2048xi32>
    %add3A_206 = arith.addi %add3A_199, %add3A_205 : vector<128x2048xi32>
    %shift_left3A_207 = arith.constant 13 : i32
    %shift_left3A_208 = vector.broadcast %shift_left3A_207 : i32 to vector<128x2048xi32>
    %shift_left3A_209 = arith.shli %add3A_205, %shift_left3A_208 : vector<128x2048xi32>
    %shift_right_logical3A_210 = arith.constant 19 : i32
    %shift_right_logical3A_211 = vector.broadcast %shift_right_logical3A_210 : i32 to vector<128x2048xi32>
    %shift_right_logical3A_212 = arith.shrui %add3A_205, %shift_right_logical3A_211 : vector<128x2048xi32>
    %or3A_213 = arith.ori %shift_left3A_209, %shift_right_logical3A_212 : vector<128x2048xi32>
    %xor3A_214 = arith.xori %or3A_213, %add3A_206 : vector<128x2048xi32>
    %add3A_215 = arith.addi %add3A_206, %xor3A_214 : vector<128x2048xi32>
    %shift_left3A_216 = arith.constant 15 : i32
    %shift_left3A_217 = vector.broadcast %shift_left3A_216 : i32 to vector<128x2048xi32>
    %shift_left3A_218 = arith.shli %xor3A_214, %shift_left3A_217 : vector<128x2048xi32>
    %shift_right_logical3A_219 = arith.constant 17 : i32
    %shift_right_logical3A_220 = vector.broadcast %shift_right_logical3A_219 : i32 to vector<128x2048xi32>
    %shift_right_logical3A_221 = arith.shrui %xor3A_214, %shift_right_logical3A_220 : vector<128x2048xi32>
    %or3A_222 = arith.ori %shift_left3A_218, %shift_right_logical3A_221 : vector<128x2048xi32>
    %xor3A_223 = arith.xori %or3A_222, %add3A_215 : vector<128x2048xi32>
    %add3A_224 = arith.addi %add3A_215, %xor3A_223 : vector<128x2048xi32>
    %shift_left3A_225 = arith.constant 26 : i32
    %shift_left3A_226 = vector.broadcast %shift_left3A_225 : i32 to vector<128x2048xi32>
    %shift_left3A_227 = arith.shli %xor3A_223, %shift_left3A_226 : vector<128x2048xi32>
    %shift_right_logical3A_228 = arith.constant 6 : i32
    %shift_right_logical3A_229 = vector.broadcast %shift_right_logical3A_228 : i32 to vector<128x2048xi32>
    %shift_right_logical3A_230 = arith.shrui %xor3A_223, %shift_right_logical3A_229 : vector<128x2048xi32>
    %or3A_231 = arith.ori %shift_left3A_227, %shift_right_logical3A_230 : vector<128x2048xi32>
    %xor3A_232 = arith.xori %or3A_231, %add3A_224 : vector<128x2048xi32>
    %add3A_233 = arith.addi %add3A_224, %xor3A_232 : vector<128x2048xi32>
    %shift_left3A_234 = arith.constant 6 : i32
    %shift_left3A_235 = vector.broadcast %shift_left3A_234 : i32 to vector<128x2048xi32>
    %shift_left3A_236 = arith.shli %xor3A_232, %shift_left3A_235 : vector<128x2048xi32>
    %shift_right_logical3A_237 = arith.constant 26 : i32
    %shift_right_logical3A_238 = vector.broadcast %shift_right_logical3A_237 : i32 to vector<128x2048xi32>
    %shift_right_logical3A_239 = arith.shrui %xor3A_232, %shift_right_logical3A_238 : vector<128x2048xi32>
    %or3A_240 = arith.ori %shift_left3A_236, %shift_right_logical3A_239 : vector<128x2048xi32>
    %xor3A_241 = arith.xori %or3A_240, %add3A_233 : vector<128x2048xi32>
    %add3A_242 = arith.constant -1183096916 : i32
    %add3A_243 = vector.broadcast %add3A_242 : i32 to vector<128x2048xi32>
    %add3A_244 = arith.addi %add3A_233, %add3A_243 : vector<128x2048xi32>
    %add3A_245 = arith.constant -1942041222 : i32
    %add3A_246 = vector.broadcast %add3A_245 : i32 to vector<128x2048xi32>
    %add3A_247 = arith.addi %xor3A_241, %add3A_246 : vector<128x2048xi32>
    %add3A_248 = arith.constant 5 : i32
    %add3A_249 = vector.broadcast %add3A_248 : i32 to vector<128x2048xi32>
    %add3A_250 = arith.addi %add3A_247, %add3A_249 : vector<128x2048xi32>
    %xor3A_251 = arith.xori %add3A_244, %add3A_250 : vector<128x2048xi32>
    %shift_right_logical3A_252 = arith.constant 9 : i32
    %shift_right_logical3A_253 = vector.broadcast %shift_right_logical3A_252 : i32 to vector<128x2048xi32>
    %shift_right_logical3A_254 = arith.shrui %xor3A_251, %shift_right_logical3A_253 : vector<128x2048xi32>
    %or3A_255 = arith.constant 1065353216 : i32
    %or3A_256 = vector.broadcast %or3A_255 : i32 to vector<128x2048xi32>
    %or3A_257 = arith.ori %shift_right_logical3A_254, %or3A_256 : vector<128x2048xi32>
    %bitcast_convert_type3A = tpu.bitcast %or3A_257 : vector<128x2048xi32> -> vector<128x2048xf32>
    %sub3A = arith.constant 1.000000e+00 : f32
    %sub3A_258 = vector.broadcast %sub3A : f32 to vector<128x2048xf32>
    %sub3A_259 = arith.subf %bitcast_convert_type3A, %sub3A_258 : vector<128x2048xf32>
    %add3A_260 = arith.constant 1.17549435E-38 : f32
    %add3A_261 = vector.broadcast %add3A_260 : f32 to vector<128x2048xf32>
    %add3A_262 = arith.addf %sub3A_259, %add3A_261 : vector<128x2048xf32>
    %max3A = arith.constant 1.17549435E-38 : f32
    %max3A_263 = vector.broadcast %max3A : f32 to vector<128x2048xf32>
    %max3A_264 = arith.maximumf %max3A_263, %add3A_262 : vector<128x2048xf32>
    %log3A = math.log %max3A_264 : vector<128x2048xf32>
    %neg3A = arith.constant 0.000000e+00 : f32
    %neg3A_265 = vector.broadcast %neg3A : f32 to vector<128x2048xf32>
    %neg3A_266 = arith.subf %neg3A_265, %log3A : vector<128x2048xf32>
    %log3A_267 = math.log %neg3A_266 : vector<128x2048xf32>
    %neg3A_268 = arith.constant 0.000000e+00 : f32
    %neg3A_269 = vector.broadcast %neg3A_268 : f32 to vector<128x2048xf32>
    %neg3A_270 = arith.subf %neg3A_269, %log3A_267 : vector<128x2048xf32>
    %get3A_271 = arith.constant 0 : index
    %get3A_272 = arith.constant 0 : index
    %get3A_273 = vector.load %arg4[%get3A_271, %get3A_272] : memref<128x2048xi32, #tpu.memory_space<vmem>>, vector<128x2048xi32>
    %get3A_274 = arith.constant dense<0> : vector<128x2048xi32>
    %get3A_275 = arith.cmpi ne, %get3A_273, %get3A_274 : vector<128x2048xi32>
    %lt3A = arith.constant 100000 : i32
    %lt3A_276 = vector.broadcast %lt3A : i32 to vector<128x2048xi32>
    %lt3A_277 = arith.cmpi slt, %add3A_18, %lt3A_276 : vector<128x2048xi32>
    %and3A = arith.andi %get3A_275, %lt3A_277 : vector<128x2048xi1>
    %add3A_278 = arith.addf %add3A_9, %neg3A_270 : vector<128x2048xf32>
    %jit3A = arith.constant -1.000000e+09 : f32
    %broadcast_in_dim3A_279 = vector.broadcast %jit3A : f32 to vector<128x2048xf32>
    %select_n3A = arith.select %and3A, %add3A_278, %broadcast_in_dim3A_279 : vector<128x2048xi1>, vector<128x2048xf32>
    %reduce_max3A = arith.constant dense<0xFF800000> : vector<128xf32>
    %reduce_max3A_280 = vector.multi_reduction <maximumf>, %select_n3A, %reduce_max3A [1] : vector<128x2048xf32> to vector<128xf32>
    %broadcast_in_dim3A_281 = vector.shape_cast %reduce_max3A_280 : vector<128xf32> to vector<128x1xf32>
    %argmax3A = tpu.reduce_index %select_n3A {axis = 1 : i32, kind = #tpu.reduction_kind<arg_max>} : vector<128x2048xf32> -> vector<128xi32>
    %mul3A_282 = arith.constant 2048 : i32
    %mul3A_283 = arith.muli %arg0, %mul3A_282 : i32
    %add3A_284 = vector.broadcast %mul3A_283 : i32 to vector<128xi32>
    %add3A_285 = arith.addi %argmax3A, %add3A_284 : vector<128xi32>
    %broadcast_in_dim3A_286 = vector.shape_cast %add3A_285 : vector<128xi32> to vector<128x1xi32>
    %eq3A = arith.constant 0 : i32
    %eq3A_287 = arith.cmpi eq, %arg0, %eq3A : i32
    %convert_element_type3A = arith.extui %eq3A_287 : i1 to i32
    %cond3A = arith.constant 0 : i32
    %cond3A_288 = arith.cmpi ne, %convert_element_type3A, %cond3A : i32
    scf.if %cond3A_288 {
      %swap3A_299 = arith.constant 0 : index
      %swap3A_300 = arith.constant 0 : index
      %swap3A_301 = vector.load %arg8[%swap3A_299, %swap3A_300] : memref<128x1xf32, #tpu.memory_space<vmem>>, vector<128x1xf32>
      tpu.vector_store %arg8[%swap3A_299, %swap3A_300], %broadcast_in_dim3A_281 {strides = array<i32>} : memref<128x1xf32, #tpu.memory_space<vmem>>, vector<128x1xf32>,
      %swap3A_302 = arith.constant 0 : index
      %swap3A_303 = arith.constant 0 : index
      %swap3A_304 = vector.load %arg9[%swap3A_302, %swap3A_303] : memref<128x1xi32, #tpu.memory_space<vmem>>, vector<128x1xi32>
      tpu.vector_store %arg9[%swap3A_302, %swap3A_303], %broadcast_in_dim3A_286 {strides = array<i32>} : memref<128x1xi32, #tpu.memory_space<vmem>>, vector<128x1xi32>,
    } else {
    }
    %gt3A = arith.constant 0 : i32
    %gt3A_289 = arith.cmpi sgt, %arg0, %gt3A : i32
    %convert_element_type3A_290 = arith.extui %gt3A_289 : i1 to i32
    %cond3A_291 = arith.constant 0 : i32
    %cond3A_292 = arith.cmpi ne, %convert_element_type3A_290, %cond3A_291 : i32
    scf.if %cond3A_292 {
      %get3A_299 = arith.constant 0 : index
      %get3A_300 = arith.constant 0 : index
      %get3A_301 = vector.load %arg8[%get3A_299, %get3A_300] : memref<128x1xf32, #tpu.memory_space<vmem>>, vector<128x1xf32>
      %gt3A_302 = arith.cmpf ogt, %broadcast_in_dim3A_281, %get3A_301 : vector<128x1xf32>
      %get3A_303 = arith.constant 0 : index
      %get3A_304 = arith.constant 0 : index
      %get3A_305 = vector.load %arg8[%get3A_303, %get3A_304] : memref<128x1xf32, #tpu.memory_space<vmem>>, vector<128x1xf32>
      %select_n3A_306 = arith.select %gt3A_302, %broadcast_in_dim3A_281, %get3A_305 : vector<128x1xi1>, vector<128x1xf32>
      %swap3A_307 = arith.constant 0 : index
      %swap3A_308 = arith.constant 0 : index
      %swap3A_309 = vector.load %arg8[%swap3A_307, %swap3A_308] : memref<128x1xf32, #tpu.memory_space<vmem>>, vector<128x1xf32>
      tpu.vector_store %arg8[%swap3A_307, %swap3A_308], %select_n3A_306 {strides = array<i32>} : memref<128x1xf32, #tpu.memory_space<vmem>>, vector<128x1xf32>,
      %get3A_310 = arith.constant 0 : index
      %get3A_311 = arith.constant 0 : index
      %get3A_312 = vector.load %arg9[%get3A_310, %get3A_311] : memref<128x1xi32, #tpu.memory_space<vmem>>, vector<128x1xi32>
      %select_n3A_313 = arith.select %gt3A_302, %broadcast_in_dim3A_286, %get3A_312 : vector<128x1xi1>, vector<128x1xi32>
      %swap3A_314 = arith.constant 0 : index
      %swap3A_315 = arith.constant 0 : index
      %swap3A_316 = vector.load %arg9[%swap3A_314, %swap3A_315] : memref<128x1xi32, #tpu.memory_space<vmem>>, vector<128x1xi32>
      tpu.vector_store %arg9[%swap3A_314, %swap3A_315], %select_n3A_313 {strides = array<i32>} : memref<128x1xi32, #tpu.memory_space<vmem>>, vector<128x1xi32>,
    } else {
    }
    %get3A_293 = arith.constant 0 : index
    %get3A_294 = arith.constant 0 : index
    %get3A_295 = vector.load %arg9[%get3A_293, %get3A_294] : memref<128x1xi32, #tpu.memory_space<vmem>>, vector<128x1xi32>
    %swap3A_296 = arith.constant 0 : index
    %swap3A_297 = arith.constant 0 : index
    %swap3A_298 = vector.load %arg7[%swap3A_296, %swap3A_297] : memref<128x1xi32, #tpu.memory_space<vmem>>, vector<128x1xi32>
    tpu.vector_store %arg7[%swap3A_296, %swap3A_297], %get3A_295 {strides = array<i32>} : memref<128x1xi32, #tpu.memory_space<vmem>>, vector<128x1xi32>,
    return
  }
  func.func @transform_0(%arg0: i32) -> (i32, i32) {
    %c0_i32 = arith.constant 0 : i32
    %c0_i32_0 = arith.constant 0 : i32
    %c0_i32_1 = arith.constant 0 : i32
    return %c0_i32, %c0_i32_0 : i32, i32
  }
  func.func @transform_1(%arg0: i32) -> (i32, i32) {
    %c0_i32 = arith.constant 0 : i32
    %c0_i32_0 = arith.constant 0 : i32
    return %arg0, %c0_i32 : i32, i32
  }
  func.func @transform_2(%arg0: i32) -> (i32, i32) {
    %c0_i32 = arith.constant 0 : i32
    %c0_i32_0 = arith.constant 0 : i32
    return %c0_i32, %arg0 : i32, i32
  }
  func.func @transform_3(%arg0: i32) -> (i32, i32) {
    %c0_i32 = arith.constant 0 : i32
    %c0_i32_0 = arith.constant 0 : i32
    return %c0_i32, %arg0 : i32, i32
  }
  func.func @transform_5(%arg0: i32) -> (i32, i32, i32) {
    %c1_i32 = arith.constant 1 : i32
    %c0_i32 = arith.constant 0 : i32
    %c0_i32_0 = arith.constant 0 : i32
    return %c1_i32, %c0_i32, %arg0 : i32, i32, i32
  }
  func.func @transform_6(%arg0: i32) -> (i32, i32) {
    %c0_i32 = arith.constant 0 : i32
    %c0_i32_0 = arith.constant 0 : i32
    %c0_i32_1 = arith.constant 0 : i32
    return %c0_i32, %c0_i32_0 : i32, i32
  }
}

</mosaic_0001>

<sc_bundles>
// kernel: kernel.7.cloned.1.call-start
scs
__scs_entry_jumppad:
0x0: {  	(pc) =	sbr.rel $0x88, $3  }
0x1: {  	(tag) =	ssettag $0x0;
	lr =	simm.s32 $0x1  }
0x2: {  	[smem:$0x3F98] =	sst lr;
	_ =	strace $0xD0000000  }
0x3: {  	_ = 	snop  }
0x4: {  	_ = 	snop  }
0x5: {  	_ = 	snop  }
0x6: {  	_ = 	snop  }
0x7: {  	_ = 	snop  }
__scs_overlays_trampoline_lowered:
0x8: {  	[smem:$0x3FA7] =	sst s0  }
0x9: {  	[smem:$0x3FA8] =	sst s1  }
0xa: {  	[smem:$0x3FA9] =	sst s2  }
0xb: {  	[smem:$0x3FAA] =	sst s3  }
0xc: {  	[smem:$0x3FAB] =	sst s4  }
0xd: {  	[smem:$0x3FAC] =	sst s5  }
0xe: {  	[smem:$0x3FAD] =	sst s6  }
0xf: {  	[smem:$0x3FAE] =	sst s7  }
0x10: {  	[smem:$0x3FAF] =	sst s8  }
0x11: {  	[smem:$0x3FB0] =	sst s9;
	s0 =	simm.s32 @!p0 $0x0  }
0x12: {  	s1 =	sld [smem:$0x3F96];
	s0 =	simm.s32 @p0 $0x1  }
0x13: {  	[smem:$0x3FB1] =	sst s0;
	s0 =	simm.s32 @!p1 $0x0  }
0x14: {  	s2 =	sld [smem:$0x3F95];
	s0 =	simm.s32 @p1 $0x1  }
0x15: {  	[smem:$0x3FB2] =	sst s0;
	s0 =	simm.s32 @!p2 $0x0  }
0x16: {  	s3 =	sld [smem:$0x3FDB];
	s0 =	simm.s32 @p2 $0x1  }
0x17: {  	s4 =	simm.s32 $0x1BF5;
	[smem:$0x3FB4] =	sst s0  }
0x18: {  	s0 =	sld [smem:$0x3F97];
	_ =	swait.ge [sflag:s4], $0x0  }
0x19: {  	s7 =	sld [smem:$0x3F98]  }
0x1a: {  	s8 =	sadd.s32 $0xFFFFE003, lr  }
0x1b: {  	s9 =	sadd.s32 $0xFFFFFEF7, lr;
	s5 =	simm.s32 $0xFFFFFFFF;
	p2 =	slt.u32 s8, $0xFFFFF086  }
0x1c: {  	p1 =	slt.u32 s9, $0xF7A;
	s5 =	simm.s32 @!p2 $0x0  }
0x1d: {  	s5 =	simm.s32 @p1 $0x1;
	p0 =	seq.s32 s7, s2  }
0x1e: {  	s7 =	smul.u32 @!p0 $0xF7A, s2;
	p2 =	seq.s32 @!p0 s5, $0x0  }
0x1f: {  	s9 =	smul.u32 $0xF7A, s1;
	s8 =	simm.s32 @!p0 $0x1BF5;
	p2 =	por !p2, p0  }
0x20: {  	[sflag:s8] =	ssyncset.s32 @!p0 $0xFFFFF086;
	s6 =	sadd.s32 @!p0 s3, s7;
	s7 =	simm.s32 @!p0 $0x108  }
0x21: {  	s3 =	sadd.s32 s3, s9;
	s6 =	sadd.s32 @!p0 $0x88, s6;
	s7 =	simm.s32 @p2 $0x1082  }
0x22: {  	[simem:s7], [sflag:s8] =	dma.local @!p0 [hbm:s6], $0xF7A  }
0x23: {  	s9 =	sor.u32 $0xD0000000, s2;
	s6 =	simm.s32 $0x108;
	_ =	swait.ge @!p0 [sflag:s8], $0x0  }
0x24: {  	s3 =	sadd.s32 $0x88, s3;
	s6 =	simm.s32 @!p1 $0x1082;
	[sflag:s4] =	ssyncset.s32 $0xFFFFF086  }
0x25: {  	[simem:s6], [sflag:s4] =	dma.local [hbm:s3], $0xF7A  }
0x26: {  	[smem:$0x3F98] =	sst s1;
	(tag) =	ssettag s2;
	_ =	strace s9  }
0x27: {  	s1 =	sld [smem:$0x3FA8]  }
0x28: {  	s2 =	sld [smem:$0x3FA9]  }
0x29: {  	s4 =	sld [smem:$0x3FAB]  }
0x2a: {  	p0 =	seq.s32 s5, $0x0;
	s5 =	sld [smem:$0x3FAC]  }
0x2b: {  	s6 =	sld [smem:$0x3FAD]  }
0x2c: {  	s7 =	sld [smem:$0x3FAE]  }
0x2d: {  	s3 =	simm.s32 $0x108;
	s8 =	sld [smem:$0x3FAF]  }
0x2e: {  	s3 =	simm.s32 @!p0 $0x1082;
	s9 =	sld [smem:$0x3FB0]  }
0x2f: {  	lr =	sadd.s32 s0, s3;
	s0 =	sld [smem:$0x3FA7]  }
0x30: {  	s3 =	sld [smem:$0x3FAA]  }
0x31: {  	[smem:$0x3FB3] =	sst s10  }
0x32: {  	s10 =	sld [smem:$0x3FB1];
	_ =	sdelay $0x3  }
0x33: {  	p0 =	seq.s32 s10, $0x1;
	s10 =	sld [smem:$0x3FB3];
	_ =	sdelay $0x3  }
0x34: {  	[smem:$0x3FB3] =	sst s10  }
0x35: {  	s10 =	sld [smem:$0x3FB2];
	_ =	sdelay $0x3  }
0x36: {  	p1 =	seq.s32 s10, $0x1;
	s10 =	sld [smem:$0x3FB3];
	_ =	sdelay $0x3  }
0x37: {  	[smem:$0x3FB3] =	sst s10  }
0x38: {  	s10 =	sld [smem:$0x3FB4]  }
0x39: {  	_ = 	snop;
	(pc) =	sbr.ind lr, $3  }
0x3a: {  	_ = 	snop  }
0x3b: {  	_ = 	snop  }
0x3c: {  	p2 =	seq.s32 s10, $0x1;
	s10 =	sld [smem:$0x3FB3]  }
0x3d: {  	_ =	shalt  }
0x3e: {  	_ =	shalt  }
0x3f: {  	_ =	shalt  }
0x40: {  	_ =	shalt  }
0x41: {  	_ =	shalt  }
0x42: {  	_ =	shalt  }
0x43: {  	_ =	shalt  }
0x44: {  	_ =	shalt  }
0x45: {  	_ =	shalt  }
0x46: {  	_ =	shalt  }
0x47: {  	_ =	shalt  }
0x48: {  	_ =	shalt  }
0x49: {  	_ =	shalt  }
0x4a: {  	_ =	shalt  }
0x4b: {  	_ =	shalt  }
0x4c: {  	_ =	shalt  }
0x4d: {  	_ =	shalt  }
0x4e: {  	_ =	shalt  }
0x4f: {  	_ =	shalt  }
0x50: {  	_ =	shalt  }
0x51: {  	_ =	shalt  }
0x52: {  	_ =	shalt  }
0x53: {  	_ =	shalt  }
0x54: {  	_ =	shalt  }
0x55: {  	_ =	shalt  }
0x56: {  	_ =	shalt  }
0x57: {  	_ =	shalt  }
0x58: {  	_ =	shalt  }
0x59: {  	_ =	shalt  }
0x5a: {  	_ =	shalt  }
0x5b: {  	_ =	shalt  }
0x5c: {  	_ =	shalt  }
0x5d: {  	_ =	shalt  }
0x5e: {  	_ =	shalt  }
0x5f: {  	_ =	shalt  }
0x60: {  	_ =	shalt  }
0x61: {  	_ =	shalt  }
0x62: {  	_ =	shalt  }
0x63: {  	_ =	shalt  }
0x64: {  	_ =	shalt  }
0x65: {  	_ =	shalt  }
0x66: {  	_ =	shalt  }
0x67: {  	_ =	shalt  }
0x68: {  	_ =	shalt  }
0x69: {  	_ =	shalt  }
0x6a: {  	_ =	shalt  }
0x6b: {  	_ =	shalt  }
0x6c: {  	_ =	shalt  }
0x6d: {  	_ =	shalt  }
0x6e: {  	_ =	shalt  }
0x6f: {  	_ =	shalt  }
0x70: {  	_ =	shalt  }
0x71: {  	_ =	shalt  }
0x72: {  	_ =	shalt  }
0x73: {  	_ =	shalt  }
0x74: {  	_ =	shalt  }
0x75: {  	_ =	shalt  }
0x76: {  	_ =	shalt  }
0x77: {  	_ =	shalt  }
0x78: {  	_ =	shalt  }
0x79: {  	_ =	shalt  }
0x7a: {  	_ =	shalt  }
0x7b: {  	_ =	shalt  }
0x7c: {  	_ =	shalt  }
0x7d: {  	_ =	shalt  }
0x7e: {  	_ =	shalt  }
0x7f: {  	_ =	shalt  }
0x80: {  	_ =	shalt  }
0x81: {  	_ =	shalt  }
0x82: {  	_ =	shalt  }
0x83: {  	_ =	shalt  }
0x84: {  	_ =	shalt  }
0x85: {  	_ =	shalt  }
0x86: {  	_ =	shalt  }
0x87: {  	_ =	shalt  }
.Lfunc_end0:
.L_simem_size_0:
called_computation_lowered:
.L_overlay_start_0:
0x88: {  	s2 =	sld [smem:$0x3FD9]  }
0x89: {  	s3 =	sld [smem:$0x3FFE];
	_ =	sdelay $0x1  }
0x8a: {  	s1 =	srdreg.scid  }
0x8b: {  	s0 =	sand.u32 $0x1, s1  }
0x8c: {  	s14 =	sshll.u32 s0, $0xA;
	s2 =	sadd.s32 s3, s2  }
0x8d: {  	s2 =	sadd.s32 s2, s14  }
0x8e: {  	[smem:$0x3FBF] =	sst s2  }
0x8f: {  	_ = 	snop  }
0x90: {  	s2 =	sld [smem:$0x3FD0];
	_ =	sdelay $0x2  }
0x91: {  	s4 =	simm.s32 $0xA;
	s5 =	simm.s32 $0x10;
	s15 =	sld [smem:$0x3FC7]  }
0x92: {  	[smem:s5], [sflag:s4] =	dma.local [hbm:s2], $0x1  }
0x93: {  	_ =	swait.eq [sflag:s4], $0x1  }
0x94: {  	[sflag:s4] =	ssyncset.done $0x0  }
0x95: {  	[sflag:s4] =	ssyncadd.s32 $0xFFFFFFFF  }
0x96: {  	s16 =	sld [smem:$0x11];
	(tm) =	ssettm $0x1  }
0x97: {  	s17 =	sld [smem:$0x3FFB];
	_ =	sdelay $0x3  }
0x98: {  	_ =	strace s17  }
0x99: {  	s4 =	sld [smem:$0x3FFC];
	_ =	sdelay $0x3  }
0x9a: {  	_ =	strace s4  }
0x9b: {  	s4 =	sld [smem:$0x3FFD];
	_ =	sdelay $0x3  }
0x9c: {  	_ =	strace s4  }
0x9d: {  	_ =	strace $0x8FFFFFFF  }
0x9e: {  	s18 =	sld [smem:$0x3FDB];
	_ =	sdelay $0x1  }
0x9f: {  	s19 =	simm.s32 $_scs_section_size  }
0xa0: {  	s6 =	simm.s32 $_size__tile_overlayer_lowered;
	s7 =	simm.s32 $_tile_overlayer_lowered  }
0xa1: {  	s22 =	simm.s32 $0x1BFF;
	s21 =	sshll.u32 s7, $0x1;
	s4 =	sadd.s32 s19, s18  }
0xa2: {  	s8 =	simm.s32 $0x0;
	s20 =	sshll.u32 s6, $0x1;
	s6 =	sadd.s32 s21, s4  }
0xa3: {  	[timem:s8], [sflag:s22] =	dma.local [hbm:s6], s20  }
0xa4: {  	_ =	swait.ge [sflag:s22], s20  }
0xa5: {  	s5 =	ssub.s32 $0x0, s20;
	[sflag:s22] =	ssyncset.done $0x0  }
0xa6: {  	[sflag:s22] =	ssyncadd.s32 s5;
	_ =	sdelay $0x1  }
0xa7: {  	s23 =	simm.s32 $0x1B8B  }
0xa8: {  	_ =	swait.ge [sflag:s23], $0x1  }
0xa9: {  	[sflag:s23] =	ssyncset.done $0x0  }
0xaa: {  	s25 =	simm.s32 $0x1B8E;
	s24 =	sld [smem:$0x3FFE];
	[sflag:s23] =	ssyncadd.s32 $0xFFFFFFFF  }
0xab: {  	s26 =	simm.s32 $execute0_lowered;
	[smem:$0x3FD2] =	sst s25  }
0xac: {  	s6 =	sshll.u32 s26, $0x1;
	_ =	strace $0x80000046;
	[dreg:$0x1] =	wrdreg $0xFFFFFFFF  }
0xad: {  	s28 =	simm.s32 $_size_execute0_lowered;
	s4 =	sadd.s32 s4, s6;
	[dreg:$0x0] =	wrdreg $0x0  }
0xae: {  	s6 =	sshll.u32 s28, $0x1;
	[dreg:$0x2] =	wrdreg s4  }
0xaf: {  	[dreg:$0x3] =	wrdreg s6  }
0xb0: {  	[dreg:$0x4] =	wrdreg $0xC0  }
0xb1: {  	_ =	task [dreg:s8], $0x5FFFF  }
0xb2: {  	[dreg:$0x1] =	wrdreg $0xFFFFFFFF  }
0xb3: {  	[dreg:$0x0] =	wrdreg $0x60  }
0xb4: {  	[dreg:$0x2] =	wrdreg s15  }
0xb5: {  	[dreg:$0x3] =	wrdreg s16  }
0xb6: {  	[dreg:$0x4] =	wrdreg s24  }
0xb7: {  	[dreg:$0x5] =	wrdreg $0x9  }
0xb8: {  	_ =	task.clear_ibuf [dreg:s8], $0x6FFFF;
	_ =	strace $0x90000046  }
0xb9: {  	s29 =	simm.s32 $0x9;
	_ =	strace $0x80000048  }
0xba: {  	_ =	swait.ge [sflag:s29], $0x1  }
0xbb: {  	[sflag:s29] =	ssyncadd.s32 $0xFFFFFFFF  }
0xbc: {  	_ =	strace $0x90000048  }
0xbd: {  	_ =	sfence  }
0xbe: {  	s30 =	sld [smem:$0x0];
	_ =	sdelay $0x2  }
0xbf: {  	s31 =	sshll.u32 s1, $0xD;
	s1 =	sshrl.u32 s1, $0x2  }
0xc0: {  	s3 =	sand.u32 $0x4000, s31;
	s1 =	sadd.s32 s1, s30  }
0xc1: {  	s0 =	sor.u32 s3, s0;
	s1 =	sshll.u32 s1, $0x11  }
0xc2: {  	s0 =	sor.u32 s1, s0  }
0xc3: {  	s0 =	sadd.s32 $0x8F2B, s0  }
0xc4: {  	[sflag:s0] =	ssyncadd.remote.s32 $0x1  }
0xc5: {  	_ =	sfence.sel $0xFFFF  }
0xc6: {  	[dreg:$0x0] =	wrdreg $0xFFFFFFFF;
	(pc) =	sbr.abs _section_cstart, $3  }
0xc7: {  	[dreg:$0x1] =	wrdreg $0xFFFFFFFF  }
0xc8: {  	_ =	task.clear_ibuf [dreg:s8], $0x2FFFF;
	_ =	strace $0x9FFFFFFF  }
0xc9: {  	(tm) =	ssettm $0x7FFFFFFF  }
tec
execute0_lowered:
.L_overlay_start_1:
0x0: {  	(tag) =	ssettag $0x1  }
0x1: {  	s1 =	stileid.u32  }
0x2: {  	p0 =	sgt.u32 s1, $0x7  }
.Ltmp0:
0x3: {  	s2 =	rddreg [dreg:$0x0];
	(pc) =	sbr.rel @p0 .LBB2_4-.Ltmp0, $4  }
0x4: {  	s4 =	rddreg [dreg:$0x1]  }
0x5: {  	s9 =	rddreg [dreg:$0x2];
	s3 =	simm.s32 $0x0  }
0x6: {  	[smem:$0x7FF] =	sst s3  }
0x7: {  	s0 =	rddreg [dreg:$0x3];
	_ =	strace $0x80000047  }
0x8: {  	s5 =	srdreg.scid  }
0x9: {  	s30 =	sshll.u32 s1, $0x1;
	s6 =	sand.u32 $0x1, s5  }
0xa: {  	s7 =	simm.s32 $0x80;
	s8 =	simm.s32 $0x1;
	s10 =	sor.u32 s6, s30  }
0xb: {  	s11 =	ssub.s32 $0x2, s6;
	s5 =	sadd.s32 s4, s10;
	s4 =	simm.s32 $0x2  }
0xc: {  	[tilespmem:s3], [sflag:$0x2] =	stream.linear.gather [hbm4b:s5+s3], $0x8, $0x38;
	[tilespmem:$0x480] =	vst v63  }
0xd: {  	s6 =	simm.s32 $0x8;
	s12 =	sshrl.u32 s11, $0x1;
	_ =	swait.ge [sflag:s4], $0x8  }
0xe: {  	s10 =	sshll.u32 s10, $0x7;
	s31 =	ssub.s32 s11, s12;
	[sflag:s4] =	ssyncset.done $0x0  }
0xf: {  	s9 =	sadd.s32 s10, s9;
	s10 =	smax.u32 s31, $0x1;
	[sflag:s4] =	ssyncadd.s32 $0xFFFFFFF8  }
0x10: {  	[tilespmem:s7], [sflag:$0x1] =	stream.indirect.gather [hbm4b:s2+s6], $0x80, s3, s6, $0xb8;
	[tilespmem:$0x480] =	vst v63  }
0x11: {  	p0 =	sne.s32 s10, $0x1;
	_ =	swait.ge [sflag:s8], $0x400  }
.Ltmp1:
0x12: {  	[sflag:s8] =	ssyncset.done $0x0;
	(pc) =	sbr.rel @!p0 .LBB2_3-.Ltmp1, $4  }
0x13: {  	s9 =	sadd.s32 $0x30E800, s9;
	[sflag:s8] =	ssyncadd.s32 $0xFFFFFC00  }
0x14: {  	[hbm4b:s9+s3] =	stream.linear.scatter [tilespmem:s7], [sflag:$0x2], $0x400, $0x38;
	[tilespmem:$0x480] =	vst v63  }
0x15: {  	_ =	swait.ge [sflag:s4], $0x400  }
0x16: {  	s10 =	sadd.s32 $0xFFFFFFFF, s10;
	[sflag:s4] =	ssyncset.done $0x0  }
.LBB2_2:
0x17: {  	p0 =	sne.s32 s10, $0x1;
	s10 =	sadd.s32 $0xFFFFFFFF, s10;
	[sflag:s4] =	ssyncadd.s32 $0xFFFFFC00  }
0x18: {  	[tilespmem:s3], [sflag:$0x2] =	stream.linear.gather [hbm4b:s5+s3], $0x8, $0x38;
	[tilespmem:$0x480] =	vst v63  }
0x19: {  	_ =	swait.ge [sflag:s4], $0x8  }
0x1a: {  	[sflag:s4] =	ssyncset.done $0x0  }
0x1b: {  	[sflag:s4] =	ssyncadd.s32 $0xFFFFFFF8  }
0x1c: {  	[tilespmem:s7], [sflag:$0x1] =	stream.indirect.gather [hbm4b:s2+s6], $0x80, s3, s6, $0xb8;
	[tilespmem:$0x480] =	vst v63  }
0x1d: {  	_ =	swait.ge [sflag:s8], $0x400  }
.Ltmp2:
0x1e: {  	[sflag:s8] =	ssyncset.done $0x0;
	(pc) =	sbr.rel @p0 .LBB2_2-.Ltmp2, $4  }
0x1f: {  	[sflag:s8] =	ssyncadd.s32 $0xFFFFFC00  }
0x20: {  	[hbm4b:s9+s3] =	stream.linear.scatter [tilespmem:s7], [sflag:$0x2], $0x400, $0x38;
	[tilespmem:$0x480] =	vst v63  }
0x21: {  	_ =	swait.ge [sflag:s4], $0x400  }
0x22: {  	[sflag:s4] =	ssyncset.done $0x0  }
.LBB2_3:
0x23: {  	[sflag:s4] =	ssyncadd.s32 $0xFFFFFC00  }
.LBB2_4:
0x24: {  	_ =	sfence.sel $0x180000  }
0x25: {  	[bflag:$0x0] =	sbarrier.arrive $0xFFFF  }
0x26: {  	p0 =	sne.s32 s1, $0x0;
	_ =	strace $0x90000047  }
0x27: {  	s0 =	sadd.s32 @!p0 $0x100000, s0;
	[bflag:$0x2] =	sbarrier.arrive $0xFFFF  }
0x28: {  	[sflag:s0] =	ssyncadd.tile.s32 @!p0 $0x1;
	_ =	shalt  }
.Lfunc_end2:
_tile_overlayer_lowered:
.L_overlay_start_2:
0x29: {  	(tag) =	ssettag $0x2  }
0x2a: {  	s0 =	rddreg [dreg:$0x0];
	s2 =	stileid.u32  }
0x2b: {  	s1 =	rddreg [dreg:$0x1];
	p0 =	sne.s32 s2, $0x0  }
0x2c: {  	s3 =	rddreg [dreg:$0x2];
	[bflag:$0x3] =	sbarrier.arrive $0xFFFF;
	s2 =	simm.s32 @!p0 $0x1C02  }
0x2d: {  	[timem:s3], [sflag:s2] =	dma.local @!p0 [hbm:s0], s1  }
0x2e: {  	s0 =	simm.s32 @!p0 $0x2  }
0x2f: {  	_ =	swait.ge @!p0 [sflag:s0], s1  }
0x30: {  	s1 =	ssub.s32 @!p0 $0x0, s1;
	[sflag:s0] =	ssyncset.done @!p0 $0x0  }
0x31: {  	[sflag:s0] =	ssyncadd.s32 @!p0 s1  }
0x32: {  	[bflag:$0x3] =	sbarrier.arrive $0xFFFF  }
0x33: {  	_ =	shalt  }

</sc_bundles>
